<compile_context>
chip_gen: v7x
topology: tpu7x:2x2x1
jax: 0.10.2.dev20260603
libtpu: 0.0.44.dev20260713+nightly
codegen_flags: <defaults>
</compile_context>

<pallas_src>
import functools

import jax
import jax.numpy as jnp
from jax import lax
from jax.experimental import pallas as pl
from jax.experimental.pallas import tpu as pltpu
from jax.experimental.pallas import tpu_sc as plsc

NC, NS, L = 2, 16, 16
NW = NC * NS

ROWS, COLS = 16384, 1024
ROWS_W = ROWS // NW
CR = 8
NBUF = 4
NCHUNK = ROWS_W // CR
VEC_PER_CHUNK = CR * COLS // L


def _sc_body(data_hbm, lut_hbm, out_hbm, lut_v, inb, outb, sin, sout):
    wid = lax.axis_index("s") * NC + lax.axis_index("c")
    base = wid * ROWS_W

    for b in range(NBUF):
        pltpu.async_copy(
            data_hbm.at[pl.ds(base + b * CR, CR)], inb[b], sin[b]
        )

    pltpu.sync_copy(lut_hbm, lut_v)

    @pl.loop(0, NCHUNK, step=NBUF)
    def _group(g0):
        for b in range(NBUF):
            g = g0 + b
            row = base + g * CR

            pltpu.make_async_copy(
                data_hbm.at[pl.ds(row, CR)], inb[b], sin[b]
            ).wait()

            @pl.when(g0 >= NBUF)
            def _():
                pltpu.make_async_copy(
                    outb[b], out_hbm.at[pl.ds(row - NBUF * CR, CR)], sout[b]
                ).wait()

            @plsc.parallel_loop(0, VEC_PER_CHUNK, unroll=8)
            def _vec(i):
                r = i >> 6
                c = (i & 63) << 4
                d = inb[b][r, pl.ds(c, L)]
                outb[b][r, pl.ds(c, L)] = plsc.load_gather(lut_v, [d + 128])

            pltpu.async_copy(outb[b], out_hbm.at[pl.ds(row, CR)], sout[b])

            @pl.when(g0 + NBUF < NCHUNK)
            def _():
                pltpu.async_copy(
                    data_hbm.at[pl.ds(row + NBUF * CR, CR)], inb[b], sin[b]
                )

    for b in range(NBUF):
        row = base + (NCHUNK - NBUF + b) * CR
        pltpu.make_async_copy(
            outb[b], out_hbm.at[pl.ds(row, CR)], sout[b]
        ).wait()


@functools.partial(
    pl.kernel,
    out_type=jax.ShapeDtypeStruct((ROWS, COLS), jnp.float32),
    mesh=plsc.VectorSubcoreMesh(
        core_axis_name="c", subcore_axis_name="s", num_cores=NC, num_subcores=NS
    ),
    scratch_types=(
        [pltpu.VMEM((256,), jnp.float32)]
        + [pltpu.VMEM((CR, COLS), jnp.int32) for _ in range(NBUF)]
        + [pltpu.VMEM((CR, COLS), jnp.float32) for _ in range(NBUF)]
        + [pltpu.SemaphoreType.DMA for _ in range(2 * NBUF)]
    ),
    compiler_params=pltpu.CompilerParams(needs_layout_passes=False),
)
def _sc_lookup(data_hbm, lut_hbm, out_hbm, lut_v, *bufs):
    inb = list(bufs[:NBUF])
    outb = list(bufs[NBUF:2 * NBUF])
    sin = list(bufs[2 * NBUF:3 * NBUF])
    sout = list(bufs[3 * NBUF:4 * NBUF])
    _sc_body(data_hbm, lut_hbm, out_hbm, lut_v, inb, outb, sin, sout)


@jax.jit
def kernel(data, float_table, out_scale):
    table_int = jnp.round(float_table * 128.0).astype(jnp.int32)
    table_int = jnp.clip(table_int, -128, 127)
    lut = table_int.astype(jnp.float32) * out_scale[0]
    return _sc_lookup(data, lut)

# --- scband reference (transcript-rebuilt; emitter-appended) ---
"""Pipeline reference for scband-look-up-table-15719580304070 (READ-ONLY COPY).

The authoritative reference and input builder live on the scoring server;
editing this copy changes nothing except your own understanding.
"""

import jax, jax.numpy as jnp
import numpy as np


def setup_inputs(seed: int = 0) -> dict:
    key = jax.random.key(seed)
    k1, k2 = jax.random.split(key)
    # data.int_repr(): qint8 integer representation in [-128, 128)
    data = jax.random.randint(k1, (16384, 1024), 0, 256, dtype=jnp.int32) - 128
    # float_table: the function (tanh) evaluated on the 256-point qint8 input grid
    in_scale = jnp.float32(1.0 / 64.0)
    grid = (jnp.arange(256, dtype=jnp.float32) - 128.0) * in_scale
    float_table = jnp.tanh(grid)
    # out_scale buffer registered in __init__: 2/256
    out_scale = jnp.array([2.0 / 256.0], dtype=jnp.float32)
    return {"data": data, "float_table": float_table, "out_scale": out_scale}


def reference(data, float_table, out_scale):
    # table = func(float_table) = (float_table * 128).to(torch.int32)
    table = jnp.round(float_table * 128.0).astype(jnp.int32)
    # lut op: index the 256-entry table with (int_repr - qmin) for qint8 (zero_point = 0)
    idx = data + 128
    out_int = jnp.take(table, idx, axis=0)
    out_int = jnp.clip(out_int, -128, 127)  # saturate to qint8 output range
    # QTensor(out, out_scale, 'qint8') -> dequantized view for the reference output
    out = out_int.astype(jnp.float32) * out_scale[0]
    return out

if __name__ == "__main__":
    import jax
    _d = setup_inputs()
    print(jax.jit(kernel)(*tuple(_d.values())))

</pallas_src>

<mosaic_0001>
#map = affine_map<(d0, d1) -> (0, 0)>
#map1 = affine_map<(d0, d1) -> (0)>
module attributes {stable_mosaic.version = 14 : i64} {
  func.func @_sc_lookup(%arg0: i32, %arg1: i32, %arg2: memref<16384x1024xi32, #tpu.memory_space<hbm>>, %arg3: memref<256xf32, #tpu.memory_space<hbm>>, %arg4: memref<16384x1024xf32, #tpu.memory_space<hbm>>, %arg5: memref<256xf32, #tpu.memory_space<vmem>>, %arg6: memref<8x1024xi32, #tpu.memory_space<vmem>>, %arg7: memref<8x1024xi32, #tpu.memory_space<vmem>>, %arg8: memref<8x1024xi32, #tpu.memory_space<vmem>>, %arg9: memref<8x1024xi32, #tpu.memory_space<vmem>>, %arg10: memref<8x1024xf32, #tpu.memory_space<vmem>>, %arg11: memref<8x1024xf32, #tpu.memory_space<vmem>>, %arg12: memref<8x1024xf32, #tpu.memory_space<vmem>>, %arg13: memref<8x1024xf32, #tpu.memory_space<vmem>>, %arg14: memref<!tpu.dma_semaphore, #tpu.memory_space<semaphore_mem>>, %arg15: memref<!tpu.dma_semaphore, #tpu.memory_space<semaphore_mem>>, %arg16: memref<!tpu.dma_semaphore, #tpu.memory_space<semaphore_mem>>, %arg17: memref<!tpu.dma_semaphore, #tpu.memory_space<semaphore_mem>>, %arg18: memref<!tpu.dma_semaphore, #tpu.memory_space<semaphore_mem>>, %arg19: memref<!tpu.dma_semaphore, #tpu.memory_space<semaphore_mem>>, %arg20: memref<!tpu.dma_semaphore, #tpu.memory_space<semaphore_mem>>, %arg21: memref<!tpu.dma_semaphore, #tpu.memory_space<semaphore_mem>>) attributes {dimension_semantics = [#tpu.dimension_semantics<core_parallel>, #tpu.dimension_semantics<subcore_parallel>], iteration_bounds = array<i64: 2, 16>, scalar_prefetch = 0 : i64, scratch_operands = 17 : i64, tpu.core_type = #tpu.core_type<sc_vector_subcore>, window_params = [{transform_indices = #map}, {transform_indices = #map1}, {transform_indices = #map}]} {
    %mul3A = arith.constant 2 : i32
    %mul3A_0 = arith.muli %arg1, %mul3A : i32
    %add3A = arith.addi %mul3A_0, %arg0 : i32
    %mul3A_1 = arith.constant 512 : i32
    %mul3A_2 = arith.muli %add3A, %mul3A_1 : i32
    %add3A_3 = arith.constant 0 : i32
    %add3A_4 = arith.addi %mul3A_2, %add3A_3 : i32
    %dma_start3A = arith.constant 0 : i32
    %dma_start3A_5 = tpu.memref_slice %arg2[%add3A_4, %dma_start3A] : memref<16384x1024xi32, #tpu.memory_space<hbm>> -> memref<8x1024xi32, #tpu.memory_space<hbm>>
    %dma_start3A_6 = arith.constant 0 : i32
    %dma_start3A_7 = tpu.memref_slice %arg2[%add3A_4, %dma_start3A_6] : memref<16384x1024xi32, #tpu.memory_space<hbm>> -> memref<8x1024xi32, #tpu.memory_space<hbm>>
    tpu.enqueue_dma source(%dma_start3A_7 : memref<8x1024xi32, #tpu.memory_space<hbm>>) target(%arg6 : memref<8x1024xi32, #tpu.memory_space<vmem>>) target_semaphore(%arg14 : memref<!tpu.dma_semaphore, #tpu.memory_space<semaphore_mem>>)
    %add3A_8 = arith.constant 8 : i32
    %add3A_9 = arith.addi %mul3A_2, %add3A_8 : i32
    %dma_start3A_10 = arith.constant 0 : i32
    %dma_start3A_11 = tpu.memref_slice %arg2[%add3A_9, %dma_start3A_10] : memref<16384x1024xi32, #tpu.memory_space<hbm>> -> memref<8x1024xi32, #tpu.memory_space<hbm>>
    %dma_start3A_12 = arith.constant 0 : i32
    %dma_start3A_13 = tpu.memref_slice %arg2[%add3A_9, %dma_start3A_12] : memref<16384x1024xi32, #tpu.memory_space<hbm>> -> memref<8x1024xi32, #tpu.memory_space<hbm>>
    tpu.enqueue_dma source(%dma_start3A_13 : memref<8x1024xi32, #tpu.memory_space<hbm>>) target(%arg7 : memref<8x1024xi32, #tpu.memory_space<vmem>>) target_semaphore(%arg15 : memref<!tpu.dma_semaphore, #tpu.memory_space<semaphore_mem>>)
    %add3A_14 = arith.constant 16 : i32
    %add3A_15 = arith.addi %mul3A_2, %add3A_14 : i32
    %dma_start3A_16 = arith.constant 0 : i32
    %dma_start3A_17 = tpu.memref_slice %arg2[%add3A_15, %dma_start3A_16] : memref<16384x1024xi32, #tpu.memory_space<hbm>> -> memref<8x1024xi32, #tpu.memory_space<hbm>>
    %dma_start3A_18 = arith.constant 0 : i32
    %dma_start3A_19 = tpu.memref_slice %arg2[%add3A_15, %dma_start3A_18] : memref<16384x1024xi32, #tpu.memory_space<hbm>> -> memref<8x1024xi32, #tpu.memory_space<hbm>>
    tpu.enqueue_dma source(%dma_start3A_19 : memref<8x1024xi32, #tpu.memory_space<hbm>>) target(%arg8 : memref<8x1024xi32, #tpu.memory_space<vmem>>) target_semaphore(%arg16 : memref<!tpu.dma_semaphore, #tpu.memory_space<semaphore_mem>>)
    %add3A_20 = arith.constant 24 : i32
    %add3A_21 = arith.addi %mul3A_2, %add3A_20 : i32
    %dma_start3A_22 = arith.constant 0 : i32
    %dma_start3A_23 = tpu.memref_slice %arg2[%add3A_21, %dma_start3A_22] : memref<16384x1024xi32, #tpu.memory_space<hbm>> -> memref<8x1024xi32, #tpu.memory_space<hbm>>
    %dma_start3A_24 = arith.constant 0 : i32
    %dma_start3A_25 = tpu.memref_slice %arg2[%add3A_21, %dma_start3A_24] : memref<16384x1024xi32, #tpu.memory_space<hbm>> -> memref<8x1024xi32, #tpu.memory_space<hbm>>
    tpu.enqueue_dma source(%dma_start3A_25 : memref<8x1024xi32, #tpu.memory_space<hbm>>) target(%arg9 : memref<8x1024xi32, #tpu.memory_space<vmem>>) target_semaphore(%arg17 : memref<!tpu.dma_semaphore, #tpu.memory_space<semaphore_mem>>)
    "tpu.region"() ({
      %run_scoped3A = tpu.sem_alloc : memref<!tpu.dma_semaphore, #tpu.memory_space<semaphore_mem>>
      tpu.enqueue_dma source(%arg3 : memref<256xf32, #tpu.memory_space<hbm>>) target(%arg5 : memref<256xf32, #tpu.memory_space<vmem>>) target_semaphore(%run_scoped3A : memref<!tpu.dma_semaphore, #tpu.memory_space<semaphore_mem>>)
      tpu.wait_dma2 semaphore(%run_scoped3A : memref<!tpu.dma_semaphore, #tpu.memory_space<semaphore_mem>>) src(%arg3 : memref<256xf32, #tpu.memory_space<hbm>>) dst(%arg5 : memref<256xf32, #tpu.memory_space<vmem>>)
      tpu.yield
    }) : () -> ()
    %scan3A = arith.constant 0 : i32
    %scan3A_26 = arith.constant 16 : i32
    %scan3A_27 = arith.addi %scan3A, %scan3A_26 : i32
    %scan3A_28 = arith.constant 1 : i32
    scf.for %scan3A_53 = %scan3A to %scan3A_27 step %scan3A_28  : i32 {
      %mul3A_54 = arith.constant 4 : i32
      %mul3A_55 = arith.muli %scan3A_53, %mul3A_54 : i32
      %add3A_56 = arith.constant 0 : i32
      %add3A_57 = arith.addi %add3A_56, %mul3A_55 : i32
      %add3A_58 = arith.constant 0 : i32
      %add3A_59 = arith.addi %add3A_57, %add3A_58 : i32
      %mul3A_60 = arith.constant 8 : i32
      %mul3A_61 = arith.muli %add3A_59, %mul3A_60 : i32
      %add3A_62 = arith.addi %mul3A_2, %mul3A_61 : i32
      %dma_wait3A_63 = arith.constant 0 : i32
      %dma_wait3A_64 = tpu.memref_slice %arg2[%add3A_62, %dma_wait3A_63] : memref<16384x1024xi32, #tpu.memory_space<hbm>> -> memref<8x1024xi32, #tpu.memory_space<hbm>>
      %dma_wait3A_65 = arith.constant 0 : i32
      %dma_wait3A_66 = tpu.memref_slice %arg2[%add3A_62, %dma_wait3A_65] : memref<16384x1024xi32, #tpu.memory_space<hbm>> -> memref<8x1024xi32, #tpu.memory_space<hbm>>
      tpu.wait_dma2 semaphore(%arg14 : memref<!tpu.dma_semaphore, #tpu.memory_space<semaphore_mem>>) src(%dma_wait3A_66 : memref<8x1024xi32, #tpu.memory_space<hbm>>) dst(%arg6 : memref<8x1024xi32, #tpu.memory_space<vmem>>)
      %ge3A = arith.constant 4 : i32
      %ge3A_67 = arith.cmpi sge, %add3A_57, %ge3A : i32
      %convert_element_type3A = arith.extui %ge3A_67 : i1 to i32
      %cond3A = arith.constant 0 : i32
      %cond3A_68 = arith.cmpi ne, %convert_element_type3A, %cond3A : i32
      scf.if %cond3A_68 {
        %sub3A = arith.constant 32 : i32
        %sub3A_165 = arith.subi %add3A_62, %sub3A : i32
        %dma_wait3A_166 = arith.constant 0 : i32
        %dma_wait3A_167 = tpu.memref_slice %arg4[%sub3A_165, %dma_wait3A_166] : memref<16384x1024xf32, #tpu.memory_space<hbm>> -> memref<8x1024xf32, #tpu.memory_space<hbm>>
        %dma_wait3A_168 = arith.constant 0 : i32
        %dma_wait3A_169 = tpu.memref_slice %arg4[%sub3A_165, %dma_wait3A_168] : memref<16384x1024xf32, #tpu.memory_space<hbm>> -> memref<8x1024xf32, #tpu.memory_space<hbm>>
        tpu.wait_dma2 semaphore(%arg18 : memref<!tpu.dma_semaphore, #tpu.memory_space<semaphore_mem>>) src(%arg10 : memref<8x1024xf32, #tpu.memory_space<vmem>>) dst(%dma_wait3A_169 : memref<8x1024xf32, #tpu.memory_space<hbm>>)
      } else {
      }
      %parallel_loop3A = arith.constant 0 : i32
      %parallel_loop3A_69 = arith.constant 512 : i32
      %parallel_loop3A_70 = arith.constant 1 : i32
      scf.for %parallel_loop3A_165 = %parallel_loop3A to %parallel_loop3A_69 step %parallel_loop3A_70  : i32 {
        %parallel_loop3A_166 = arith.constant 6 : i32
        %parallel_loop3A_167 = arith.shrsi %parallel_loop3A_165, %parallel_loop3A_166 : i32
        %parallel_loop3A_168 = arith.constant 63 : i32
        %parallel_loop3A_169 = arith.andi %parallel_loop3A_165, %parallel_loop3A_168 : i32
        %parallel_loop3A_170 = arith.constant 4 : i32
        %parallel_loop3A_171 = arith.shli %parallel_loop3A_169, %parallel_loop3A_170 : i32
        %parallel_loop3A_172 = arith.index_cast %parallel_loop3A_167 : i32 to index
        %parallel_loop3A_173 = arith.index_cast %parallel_loop3A_171 : i32 to index
        %parallel_loop3A_174 = tpu.vector_load %arg6[%parallel_loop3A_172, %parallel_loop3A_173] {strides = array<i32>} : memref<8x1024xi32, #tpu.memory_space<vmem>>, vector<16xi32>,
        %parallel_loop3A_175 = arith.constant 128 : i32
        %parallel_loop3A_176 = vector.broadcast %parallel_loop3A_175 : i32 to vector<16xi32>
        %parallel_loop3A_177 = arith.addi %parallel_loop3A_174, %parallel_loop3A_176 : vector<16xi32>
        %parallel_loop3A_178 = tpu.vector_load_idx %arg5[%parallel_loop3A_177] : memref<256xf32, #tpu.memory_space<vmem>>[vector<16xi32>], vector<16xf32>,
        %parallel_loop3A_179 = arith.index_cast %parallel_loop3A_167 : i32 to index
        %parallel_loop3A_180 = arith.index_cast %parallel_loop3A_171 : i32 to index
        %parallel_loop3A_181 = tpu.vector_load %arg10[%parallel_loop3A_179, %parallel_loop3A_180] {strides = array<i32>} : memref<8x1024xf32, #tpu.memory_space<vmem>>, vector<16xf32>,
        tpu.vector_store %arg10[%parallel_loop3A_179, %parallel_loop3A_180], %parallel_loop3A_178 {strides = array<i32>} : memref<8x1024xf32, #tpu.memory_space<vmem>>, vector<16xf32>,
      } {sc.loop_unroll_factor = 8 : i64, sc.parallel_access}
      %dma_start3A_71 = arith.constant 0 : i32
      %dma_start3A_72 = tpu.memref_slice %arg4[%add3A_62, %dma_start3A_71] : memref<16384x1024xf32, #tpu.memory_space<hbm>> -> memref<8x1024xf32, #tpu.memory_space<hbm>>
      %dma_start3A_73 = arith.constant 0 : i32
      %dma_start3A_74 = tpu.memref_slice %arg4[%add3A_62, %dma_start3A_73] : memref<16384x1024xf32, #tpu.memory_space<hbm>> -> memref<8x1024xf32, #tpu.memory_space<hbm>>
      tpu.enqueue_dma source(%arg10 : memref<8x1024xf32, #tpu.memory_space<vmem>>) target(%dma_start3A_74 : memref<8x1024xf32, #tpu.memory_space<hbm>>) target_semaphore(%arg18 : memref<!tpu.dma_semaphore, #tpu.memory_space<semaphore_mem>>)
      %add3A_75 = arith.constant 4 : i32
      %add3A_76 = arith.addi %add3A_57, %add3A_75 : i32
      %lt3A = arith.constant 64 : i32
      %lt3A_77 = arith.cmpi slt, %add3A_76, %lt3A : i32
      %convert_element_type3A_78 = arith.extui %lt3A_77 : i1 to i32
      %cond3A_79 = arith.constant 0 : i32
      %cond3A_80 = arith.cmpi ne, %convert_element_type3A_78, %cond3A_79 : i32
      scf.if %cond3A_80 {
        %add3A_165 = arith.constant 32 : i32
        %add3A_166 = arith.addi %add3A_62, %add3A_165 : i32
        %dma_start3A_167 = arith.constant 0 : i32
        %dma_start3A_168 = tpu.memref_slice %arg2[%add3A_166, %dma_start3A_167] : memref<16384x1024xi32, #tpu.memory_space<hbm>> -> memref<8x1024xi32, #tpu.memory_space<hbm>>
        %dma_start3A_169 = arith.constant 0 : i32
        %dma_start3A_170 = tpu.memref_slice %arg2[%add3A_166, %dma_start3A_169] : memref<16384x1024xi32, #tpu.memory_space<hbm>> -> memref<8x1024xi32, #tpu.memory_space<hbm>>
        tpu.enqueue_dma source(%dma_start3A_170 : memref<8x1024xi32, #tpu.memory_space<hbm>>) target(%arg6 : memref<8x1024xi32, #tpu.memory_space<vmem>>) target_semaphore(%arg14 : memref<!tpu.dma_semaphore, #tpu.memory_space<semaphore_mem>>)
      } else {
      }
      %add3A_81 = arith.constant 1 : i32
      %add3A_82 = arith.addi %add3A_57, %add3A_81 : i32
      %mul3A_83 = arith.constant 8 : i32
      %mul3A_84 = arith.muli %add3A_82, %mul3A_83 : i32
      %add3A_85 = arith.addi %mul3A_2, %mul3A_84 : i32
      %dma_wait3A_86 = arith.constant 0 : i32
      %dma_wait3A_87 = tpu.memref_slice %arg2[%add3A_85, %dma_wait3A_86] : memref<16384x1024xi32, #tpu.memory_space<hbm>> -> memref<8x1024xi32, #tpu.memory_space<hbm>>
      %dma_wait3A_88 = arith.constant 0 : i32
      %dma_wait3A_89 = tpu.memref_slice %arg2[%add3A_85, %dma_wait3A_88] : memref<16384x1024xi32, #tpu.memory_space<hbm>> -> memref<8x1024xi32, #tpu.memory_space<hbm>>
      tpu.wait_dma2 semaphore(%arg15 : memref<!tpu.dma_semaphore, #tpu.memory_space<semaphore_mem>>) src(%dma_wait3A_89 : memref<8x1024xi32, #tpu.memory_space<hbm>>) dst(%arg7 : memref<8x1024xi32, #tpu.memory_space<vmem>>)
      %ge3A_90 = arith.constant 4 : i32
      %ge3A_91 = arith.cmpi sge, %add3A_57, %ge3A_90 : i32
      %convert_element_type3A_92 = arith.extui %ge3A_91 : i1 to i32
      %cond3A_93 = arith.constant 0 : i32
      %cond3A_94 = arith.cmpi ne, %convert_element_type3A_92, %cond3A_93 : i32
      scf.if %cond3A_94 {
        %sub3A = arith.constant 32 : i32
        %sub3A_165 = arith.subi %add3A_85, %sub3A : i32
        %dma_wait3A_166 = arith.constant 0 : i32
        %dma_wait3A_167 = tpu.memref_slice %arg4[%sub3A_165, %dma_wait3A_166] : memref<16384x1024xf32, #tpu.memory_space<hbm>> -> memref<8x1024xf32, #tpu.memory_space<hbm>>
        %dma_wait3A_168 = arith.constant 0 : i32
        %dma_wait3A_169 = tpu.memref_slice %arg4[%sub3A_165, %dma_wait3A_168] : memref<16384x1024xf32, #tpu.memory_space<hbm>> -> memref<8x1024xf32, #tpu.memory_space<hbm>>
        tpu.wait_dma2 semaphore(%arg19 : memref<!tpu.dma_semaphore, #tpu.memory_space<semaphore_mem>>) src(%arg11 : memref<8x1024xf32, #tpu.memory_space<vmem>>) dst(%dma_wait3A_169 : memref<8x1024xf32, #tpu.memory_space<hbm>>)
      } else {
      }
      %parallel_loop3A_95 = arith.constant 0 : i32
      %parallel_loop3A_96 = arith.constant 512 : i32
      %parallel_loop3A_97 = arith.constant 1 : i32
      scf.for %parallel_loop3A_165 = %parallel_loop3A_95 to %parallel_loop3A_96 step %parallel_loop3A_97  : i32 {
        %parallel_loop3A_166 = arith.constant 6 : i32
        %parallel_loop3A_167 = arith.shrsi %parallel_loop3A_165, %parallel_loop3A_166 : i32
        %parallel_loop3A_168 = arith.constant 63 : i32
        %parallel_loop3A_169 = arith.andi %parallel_loop3A_165, %parallel_loop3A_168 : i32
        %parallel_loop3A_170 = arith.constant 4 : i32
        %parallel_loop3A_171 = arith.shli %parallel_loop3A_169, %parallel_loop3A_170 : i32
        %parallel_loop3A_172 = arith.index_cast %parallel_loop3A_167 : i32 to index
        %parallel_loop3A_173 = arith.index_cast %parallel_loop3A_171 : i32 to index
        %parallel_loop3A_174 = tpu.vector_load %arg7[%parallel_loop3A_172, %parallel_loop3A_173] {strides = array<i32>} : memref<8x1024xi32, #tpu.memory_space<vmem>>, vector<16xi32>,
        %parallel_loop3A_175 = arith.constant 128 : i32
        %parallel_loop3A_176 = vector.broadcast %parallel_loop3A_175 : i32 to vector<16xi32>
        %parallel_loop3A_177 = arith.addi %parallel_loop3A_174, %parallel_loop3A_176 : vector<16xi32>
        %parallel_loop3A_178 = tpu.vector_load_idx %arg5[%parallel_loop3A_177] : memref<256xf32, #tpu.memory_space<vmem>>[vector<16xi32>], vector<16xf32>,
        %parallel_loop3A_179 = arith.index_cast %parallel_loop3A_167 : i32 to index
        %parallel_loop3A_180 = arith.index_cast %parallel_loop3A_171 : i32 to index
        %parallel_loop3A_181 = tpu.vector_load %arg11[%parallel_loop3A_179, %parallel_loop3A_180] {strides = array<i32>} : memref<8x1024xf32, #tpu.memory_space<vmem>>, vector<16xf32>,
        tpu.vector_store %arg11[%parallel_loop3A_179, %parallel_loop3A_180], %parallel_loop3A_178 {strides = array<i32>} : memref<8x1024xf32, #tpu.memory_space<vmem>>, vector<16xf32>,
      } {sc.loop_unroll_factor = 8 : i64, sc.parallel_access}
      %dma_start3A_98 = arith.constant 0 : i32
      %dma_start3A_99 = tpu.memref_slice %arg4[%add3A_85, %dma_start3A_98] : memref<16384x1024xf32, #tpu.memory_space<hbm>> -> memref<8x1024xf32, #tpu.memory_space<hbm>>
      %dma_start3A_100 = arith.constant 0 : i32
      %dma_start3A_101 = tpu.memref_slice %arg4[%add3A_85, %dma_start3A_100] : memref<16384x1024xf32, #tpu.memory_space<hbm>> -> memref<8x1024xf32, #tpu.memory_space<hbm>>
      tpu.enqueue_dma source(%arg11 : memref<8x1024xf32, #tpu.memory_space<vmem>>) target(%dma_start3A_101 : memref<8x1024xf32, #tpu.memory_space<hbm>>) target_semaphore(%arg19 : memref<!tpu.dma_semaphore, #tpu.memory_space<semaphore_mem>>)
      %add3A_102 = arith.constant 4 : i32
      %add3A_103 = arith.addi %add3A_57, %add3A_102 : i32
      %lt3A_104 = arith.constant 64 : i32
      %lt3A_105 = arith.cmpi slt, %add3A_103, %lt3A_104 : i32
      %convert_element_type3A_106 = arith.extui %lt3A_105 : i1 to i32
      %cond3A_107 = arith.constant 0 : i32
      %cond3A_108 = arith.cmpi ne, %convert_element_type3A_106, %cond3A_107 : i32
      scf.if %cond3A_108 {
        %add3A_165 = arith.constant 32 : i32
        %add3A_166 = arith.addi %add3A_85, %add3A_165 : i32
        %dma_start3A_167 = arith.constant 0 : i32
        %dma_start3A_168 = tpu.memref_slice %arg2[%add3A_166, %dma_start3A_167] : memref<16384x1024xi32, #tpu.memory_space<hbm>> -> memref<8x1024xi32, #tpu.memory_space<hbm>>
        %dma_start3A_169 = arith.constant 0 : i32
        %dma_start3A_170 = tpu.memref_slice %arg2[%add3A_166, %dma_start3A_169] : memref<16384x1024xi32, #tpu.memory_space<hbm>> -> memref<8x1024xi32, #tpu.memory_space<hbm>>
        tpu.enqueue_dma source(%dma_start3A_170 : memref<8x1024xi32, #tpu.memory_space<hbm>>) target(%arg7 : memref<8x1024xi32, #tpu.memory_space<vmem>>) target_semaphore(%arg15 : memref<!tpu.dma_semaphore, #tpu.memory_space<semaphore_mem>>)
      } else {
      }
      %add3A_109 = arith.constant 2 : i32
      %add3A_110 = arith.addi %add3A_57, %add3A_109 : i32
      %mul3A_111 = arith.constant 8 : i32
      %mul3A_112 = arith.muli %add3A_110, %mul3A_111 : i32
      %add3A_113 = arith.addi %mul3A_2, %mul3A_112 : i32
      %dma_wait3A_114 = arith.constant 0 : i32
      %dma_wait3A_115 = tpu.memref_slice %arg2[%add3A_113, %dma_wait3A_114] : memref<16384x1024xi32, #tpu.memory_space<hbm>> -> memref<8x1024xi32, #tpu.memory_space<hbm>>
      %dma_wait3A_116 = arith.constant 0 : i32
      %dma_wait3A_117 = tpu.memref_slice %arg2[%add3A_113, %dma_wait3A_116] : memref<16384x1024xi32, #tpu.memory_space<hbm>> -> memref<8x1024xi32, #tpu.memory_space<hbm>>
      tpu.wait_dma2 semaphore(%arg16 : memref<!tpu.dma_semaphore, #tpu.memory_space<semaphore_mem>>) src(%dma_wait3A_117 : memref<8x1024xi32, #tpu.memory_space<hbm>>) dst(%arg8 : memref<8x1024xi32, #tpu.memory_space<vmem>>)
      %ge3A_118 = arith.constant 4 : i32
      %ge3A_119 = arith.cmpi sge, %add3A_57, %ge3A_118 : i32
      %convert_element_type3A_120 = arith.extui %ge3A_119 : i1 to i32
      %cond3A_121 = arith.constant 0 : i32
      %cond3A_122 = arith.cmpi ne, %convert_element_type3A_120, %cond3A_121 : i32
      scf.if %cond3A_122 {
        %sub3A = arith.constant 32 : i32
        %sub3A_165 = arith.subi %add3A_113, %sub3A : i32
        %dma_wait3A_166 = arith.constant 0 : i32
        %dma_wait3A_167 = tpu.memref_slice %arg4[%sub3A_165, %dma_wait3A_166] : memref<16384x1024xf32, #tpu.memory_space<hbm>> -> memref<8x1024xf32, #tpu.memory_space<hbm>>
        %dma_wait3A_168 = arith.constant 0 : i32
        %dma_wait3A_169 = tpu.memref_slice %arg4[%sub3A_165, %dma_wait3A_168] : memref<16384x1024xf32, #tpu.memory_space<hbm>> -> memref<8x1024xf32, #tpu.memory_space<hbm>>
        tpu.wait_dma2 semaphore(%arg20 : memref<!tpu.dma_semaphore, #tpu.memory_space<semaphore_mem>>) src(%arg12 : memref<8x1024xf32, #tpu.memory_space<vmem>>) dst(%dma_wait3A_169 : memref<8x1024xf32, #tpu.memory_space<hbm>>)
      } else {
      }
      %parallel_loop3A_123 = arith.constant 0 : i32
      %parallel_loop3A_124 = arith.constant 512 : i32
      %parallel_loop3A_125 = arith.constant 1 : i32
      scf.for %parallel_loop3A_165 = %parallel_loop3A_123 to %parallel_loop3A_124 step %parallel_loop3A_125  : i32 {
        %parallel_loop3A_166 = arith.constant 6 : i32
        %parallel_loop3A_167 = arith.shrsi %parallel_loop3A_165, %parallel_loop3A_166 : i32
        %parallel_loop3A_168 = arith.constant 63 : i32
        %parallel_loop3A_169 = arith.andi %parallel_loop3A_165, %parallel_loop3A_168 : i32
        %parallel_loop3A_170 = arith.constant 4 : i32
        %parallel_loop3A_171 = arith.shli %parallel_loop3A_169, %parallel_loop3A_170 : i32
        %parallel_loop3A_172 = arith.index_cast %parallel_loop3A_167 : i32 to index
        %parallel_loop3A_173 = arith.index_cast %parallel_loop3A_171 : i32 to index
        %parallel_loop3A_174 = tpu.vector_load %arg8[%parallel_loop3A_172, %parallel_loop3A_173] {strides = array<i32>} : memref<8x1024xi32, #tpu.memory_space<vmem>>, vector<16xi32>,
        %parallel_loop3A_175 = arith.constant 128 : i32
        %parallel_loop3A_176 = vector.broadcast %parallel_loop3A_175 : i32 to vector<16xi32>
        %parallel_loop3A_177 = arith.addi %parallel_loop3A_174, %parallel_loop3A_176 : vector<16xi32>
        %parallel_loop3A_178 = tpu.vector_load_idx %arg5[%parallel_loop3A_177] : memref<256xf32, #tpu.memory_space<vmem>>[vector<16xi32>], vector<16xf32>,
        %parallel_loop3A_179 = arith.index_cast %parallel_loop3A_167 : i32 to index
        %parallel_loop3A_180 = arith.index_cast %parallel_loop3A_171 : i32 to index
        %parallel_loop3A_181 = tpu.vector_load %arg12[%parallel_loop3A_179, %parallel_loop3A_180] {strides = array<i32>} : memref<8x1024xf32, #tpu.memory_space<vmem>>, vector<16xf32>,
        tpu.vector_store %arg12[%parallel_loop3A_179, %parallel_loop3A_180], %parallel_loop3A_178 {strides = array<i32>} : memref<8x1024xf32, #tpu.memory_space<vmem>>, vector<16xf32>,
      } {sc.loop_unroll_factor = 8 : i64, sc.parallel_access}
      %dma_start3A_126 = arith.constant 0 : i32
      %dma_start3A_127 = tpu.memref_slice %arg4[%add3A_113, %dma_start3A_126] : memref<16384x1024xf32, #tpu.memory_space<hbm>> -> memref<8x1024xf32, #tpu.memory_space<hbm>>
      %dma_start3A_128 = arith.constant 0 : i32
      %dma_start3A_129 = tpu.memref_slice %arg4[%add3A_113, %dma_start3A_128] : memref<16384x1024xf32, #tpu.memory_space<hbm>> -> memref<8x1024xf32, #tpu.memory_space<hbm>>
      tpu.enqueue_dma source(%arg12 : memref<8x1024xf32, #tpu.memory_space<vmem>>) target(%dma_start3A_129 : memref<8x1024xf32, #tpu.memory_space<hbm>>) target_semaphore(%arg20 : memref<!tpu.dma_semaphore, #tpu.memory_space<semaphore_mem>>)
      %add3A_130 = arith.constant 4 : i32
      %add3A_131 = arith.addi %add3A_57, %add3A_130 : i32
      %lt3A_132 = arith.constant 64 : i32
      %lt3A_133 = arith.cmpi slt, %add3A_131, %lt3A_132 : i32
      %convert_element_type3A_134 = arith.extui %lt3A_133 : i1 to i32
      %cond3A_135 = arith.constant 0 : i32
      %cond3A_136 = arith.cmpi ne, %convert_element_type3A_134, %cond3A_135 : i32
      scf.if %cond3A_136 {
        %add3A_165 = arith.constant 32 : i32
        %add3A_166 = arith.addi %add3A_113, %add3A_165 : i32
        %dma_start3A_167 = arith.constant 0 : i32
        %dma_start3A_168 = tpu.memref_slice %arg2[%add3A_166, %dma_start3A_167] : memref<16384x1024xi32, #tpu.memory_space<hbm>> -> memref<8x1024xi32, #tpu.memory_space<hbm>>
        %dma_start3A_169 = arith.constant 0 : i32
        %dma_start3A_170 = tpu.memref_slice %arg2[%add3A_166, %dma_start3A_169] : memref<16384x1024xi32, #tpu.memory_space<hbm>> -> memref<8x1024xi32, #tpu.memory_space<hbm>>
        tpu.enqueue_dma source(%dma_start3A_170 : memref<8x1024xi32, #tpu.memory_space<hbm>>) target(%arg8 : memref<8x1024xi32, #tpu.memory_space<vmem>>) target_semaphore(%arg16 : memref<!tpu.dma_semaphore, #tpu.memory_space<semaphore_mem>>)
      } else {
      }
      %add3A_137 = arith.constant 3 : i32
      %add3A_138 = arith.addi %add3A_57, %add3A_137 : i32
      %mul3A_139 = arith.constant 8 : i32
      %mul3A_140 = arith.muli %add3A_138, %mul3A_139 : i32
      %add3A_141 = arith.addi %mul3A_2, %mul3A_140 : i32
      %dma_wait3A_142 = arith.constant 0 : i32
      %dma_wait3A_143 = tpu.memref_slice %arg2[%add3A_141, %dma_wait3A_142] : memref<16384x1024xi32, #tpu.memory_space<hbm>> -> memref<8x1024xi32, #tpu.memory_space<hbm>>
      %dma_wait3A_144 = arith.constant 0 : i32
      %dma_wait3A_145 = tpu.memref_slice %arg2[%add3A_141, %dma_wait3A_144] : memref<16384x1024xi32, #tpu.memory_space<hbm>> -> memref<8x1024xi32, #tpu.memory_space<hbm>>
      tpu.wait_dma2 semaphore(%arg17 : memref<!tpu.dma_semaphore, #tpu.memory_space<semaphore_mem>>) src(%dma_wait3A_145 : memref<8x1024xi32, #tpu.memory_space<hbm>>) dst(%arg9 : memref<8x1024xi32, #tpu.memory_space<vmem>>)
      %ge3A_146 = arith.constant 4 : i32
      %ge3A_147 = arith.cmpi sge, %add3A_57, %ge3A_146 : i32
      %convert_element_type3A_148 = arith.extui %ge3A_147 : i1 to i32
      %cond3A_149 = arith.constant 0 : i32
      %cond3A_150 = arith.cmpi ne, %convert_element_type3A_148, %cond3A_149 : i32
      scf.if %cond3A_150 {
        %sub3A = arith.constant 32 : i32
        %sub3A_165 = arith.subi %add3A_141, %sub3A : i32
        %dma_wait3A_166 = arith.constant 0 : i32
        %dma_wait3A_167 = tpu.memref_slice %arg4[%sub3A_165, %dma_wait3A_166] : memref<16384x1024xf32, #tpu.memory_space<hbm>> -> memref<8x1024xf32, #tpu.memory_space<hbm>>
        %dma_wait3A_168 = arith.constant 0 : i32
        %dma_wait3A_169 = tpu.memref_slice %arg4[%sub3A_165, %dma_wait3A_168] : memref<16384x1024xf32, #tpu.memory_space<hbm>> -> memref<8x1024xf32, #tpu.memory_space<hbm>>
        tpu.wait_dma2 semaphore(%arg21 : memref<!tpu.dma_semaphore, #tpu.memory_space<semaphore_mem>>) src(%arg13 : memref<8x1024xf32, #tpu.memory_space<vmem>>) dst(%dma_wait3A_169 : memref<8x1024xf32, #tpu.memory_space<hbm>>)
      } else {
      }
      %parallel_loop3A_151 = arith.constant 0 : i32
      %parallel_loop3A_152 = arith.constant 512 : i32
      %parallel_loop3A_153 = arith.constant 1 : i32
      scf.for %parallel_loop3A_165 = %parallel_loop3A_151 to %parallel_loop3A_152 step %parallel_loop3A_153  : i32 {
        %parallel_loop3A_166 = arith.constant 6 : i32
        %parallel_loop3A_167 = arith.shrsi %parallel_loop3A_165, %parallel_loop3A_166 : i32
        %parallel_loop3A_168 = arith.constant 63 : i32
        %parallel_loop3A_169 = arith.andi %parallel_loop3A_165, %parallel_loop3A_168 : i32
        %parallel_loop3A_170 = arith.constant 4 : i32
        %parallel_loop3A_171 = arith.shli %parallel_loop3A_169, %parallel_loop3A_170 : i32
        %parallel_loop3A_172 = arith.index_cast %parallel_loop3A_167 : i32 to index
        %parallel_loop3A_173 = arith.index_cast %parallel_loop3A_171 : i32 to index
        %parallel_loop3A_174 = tpu.vector_load %arg9[%parallel_loop3A_172, %parallel_loop3A_173] {strides = array<i32>} : memref<8x1024xi32, #tpu.memory_space<vmem>>, vector<16xi32>,
        %parallel_loop3A_175 = arith.constant 128 : i32
        %parallel_loop3A_176 = vector.broadcast %parallel_loop3A_175 : i32 to vector<16xi32>
        %parallel_loop3A_177 = arith.addi %parallel_loop3A_174, %parallel_loop3A_176 : vector<16xi32>
        %parallel_loop3A_178 = tpu.vector_load_idx %arg5[%parallel_loop3A_177] : memref<256xf32, #tpu.memory_space<vmem>>[vector<16xi32>], vector<16xf32>,
        %parallel_loop3A_179 = arith.index_cast %parallel_loop3A_167 : i32 to index
        %parallel_loop3A_180 = arith.index_cast %parallel_loop3A_171 : i32 to index
        %parallel_loop3A_181 = tpu.vector_load %arg13[%parallel_loop3A_179, %parallel_loop3A_180] {strides = array<i32>} : memref<8x1024xf32, #tpu.memory_space<vmem>>, vector<16xf32>,
        tpu.vector_store %arg13[%parallel_loop3A_179, %parallel_loop3A_180], %parallel_loop3A_178 {strides = array<i32>} : memref<8x1024xf32, #tpu.memory_space<vmem>>, vector<16xf32>,
      } {sc.loop_unroll_factor = 8 : i64, sc.parallel_access}
      %dma_start3A_154 = arith.constant 0 : i32
      %dma_start3A_155 = tpu.memref_slice %arg4[%add3A_141, %dma_start3A_154] : memref<16384x1024xf32, #tpu.memory_space<hbm>> -> memref<8x1024xf32, #tpu.memory_space<hbm>>
      %dma_start3A_156 = arith.constant 0 : i32
      %dma_start3A_157 = tpu.memref_slice %arg4[%add3A_141, %dma_start3A_156] : memref<16384x1024xf32, #tpu.memory_space<hbm>> -> memref<8x1024xf32, #tpu.memory_space<hbm>>
      tpu.enqueue_dma source(%arg13 : memref<8x1024xf32, #tpu.memory_space<vmem>>) target(%dma_start3A_157 : memref<8x1024xf32, #tpu.memory_space<hbm>>) target_semaphore(%arg21 : memref<!tpu.dma_semaphore, #tpu.memory_space<semaphore_mem>>)
      %add3A_158 = arith.constant 4 : i32
      %add3A_159 = arith.addi %add3A_57, %add3A_158 : i32
      %lt3A_160 = arith.constant 64 : i32
      %lt3A_161 = arith.cmpi slt, %add3A_159, %lt3A_160 : i32
      %convert_element_type3A_162 = arith.extui %lt3A_161 : i1 to i32
      %cond3A_163 = arith.constant 0 : i32
      %cond3A_164 = arith.cmpi ne, %convert_element_type3A_162, %cond3A_163 : i32
      scf.if %cond3A_164 {
        %add3A_165 = arith.constant 32 : i32
        %add3A_166 = arith.addi %add3A_141, %add3A_165 : i32
        %dma_start3A_167 = arith.constant 0 : i32
        %dma_start3A_168 = tpu.memref_slice %arg2[%add3A_166, %dma_start3A_167] : memref<16384x1024xi32, #tpu.memory_space<hbm>> -> memref<8x1024xi32, #tpu.memory_space<hbm>>
        %dma_start3A_169 = arith.constant 0 : i32
        %dma_start3A_170 = tpu.memref_slice %arg2[%add3A_166, %dma_start3A_169] : memref<16384x1024xi32, #tpu.memory_space<hbm>> -> memref<8x1024xi32, #tpu.memory_space<hbm>>
        tpu.enqueue_dma source(%dma_start3A_170 : memref<8x1024xi32, #tpu.memory_space<hbm>>) target(%arg9 : memref<8x1024xi32, #tpu.memory_space<vmem>>) target_semaphore(%arg17 : memref<!tpu.dma_semaphore, #tpu.memory_space<semaphore_mem>>)
      } else {
      }
    }
    %scan3A_29 = arith.constant 16 : i32
    %add3A_30 = arith.constant 480 : i32
    %add3A_31 = arith.addi %mul3A_2, %add3A_30 : i32
    %dma_wait3A = arith.constant 0 : i32
    %dma_wait3A_32 = tpu.memref_slice %arg4[%add3A_31, %dma_wait3A] : memref<16384x1024xf32, #tpu.memory_space<hbm>> -> memref<8x1024xf32, #tpu.memory_space<hbm>>
    %dma_wait3A_33 = arith.constant 0 : i32
    %dma_wait3A_34 = tpu.memref_slice %arg4[%add3A_31, %dma_wait3A_33] : memref<16384x1024xf32, #tpu.memory_space<hbm>> -> memref<8x1024xf32, #tpu.memory_space<hbm>>
    tpu.wait_dma2 semaphore(%arg18 : memref<!tpu.dma_semaphore, #tpu.memory_space<semaphore_mem>>) src(%arg10 : memref<8x1024xf32, #tpu.memory_space<vmem>>) dst(%dma_wait3A_34 : memref<8x1024xf32, #tpu.memory_space<hbm>>)
    %add3A_35 = arith.constant 488 : i32
    %add3A_36 = arith.addi %mul3A_2, %add3A_35 : i32
    %dma_wait3A_37 = arith.constant 0 : i32
    %dma_wait3A_38 = tpu.memref_slice %arg4[%add3A_36, %dma_wait3A_37] : memref<16384x1024xf32, #tpu.memory_space<hbm>> -> memref<8x1024xf32, #tpu.memory_space<hbm>>
    %dma_wait3A_39 = arith.constant 0 : i32
    %dma_wait3A_40 = tpu.memref_slice %arg4[%add3A_36, %dma_wait3A_39] : memref<16384x1024xf32, #tpu.memory_space<hbm>> -> memref<8x1024xf32, #tpu.memory_space<hbm>>
    tpu.wait_dma2 semaphore(%arg19 : memref<!tpu.dma_semaphore, #tpu.memory_space<semaphore_mem>>) src(%arg11 : memref<8x1024xf32, #tpu.memory_space<vmem>>) dst(%dma_wait3A_40 : memref<8x1024xf32, #tpu.memory_space<hbm>>)
    %add3A_41 = arith.constant 496 : i32
    %add3A_42 = arith.addi %mul3A_2, %add3A_41 : i32
    %dma_wait3A_43 = arith.constant 0 : i32
    %dma_wait3A_44 = tpu.memref_slice %arg4[%add3A_42, %dma_wait3A_43] : memref<16384x1024xf32, #tpu.memory_space<hbm>> -> memref<8x1024xf32, #tpu.memory_space<hbm>>
    %dma_wait3A_45 = arith.constant 0 : i32
    %dma_wait3A_46 = tpu.memref_slice %arg4[%add3A_42, %dma_wait3A_45] : memref<16384x1024xf32, #tpu.memory_space<hbm>> -> memref<8x1024xf32, #tpu.memory_space<hbm>>
    tpu.wait_dma2 semaphore(%arg20 : memref<!tpu.dma_semaphore, #tpu.memory_space<semaphore_mem>>) src(%arg12 : memref<8x1024xf32, #tpu.memory_space<vmem>>) dst(%dma_wait3A_46 : memref<8x1024xf32, #tpu.memory_space<hbm>>)
    %add3A_47 = arith.constant 504 : i32
    %add3A_48 = arith.addi %mul3A_2, %add3A_47 : i32
    %dma_wait3A_49 = arith.constant 0 : i32
    %dma_wait3A_50 = tpu.memref_slice %arg4[%add3A_48, %dma_wait3A_49] : memref<16384x1024xf32, #tpu.memory_space<hbm>> -> memref<8x1024xf32, #tpu.memory_space<hbm>>
    %dma_wait3A_51 = arith.constant 0 : i32
    %dma_wait3A_52 = tpu.memref_slice %arg4[%add3A_48, %dma_wait3A_51] : memref<16384x1024xf32, #tpu.memory_space<hbm>> -> memref<8x1024xf32, #tpu.memory_space<hbm>>
    tpu.wait_dma2 semaphore(%arg21 : memref<!tpu.dma_semaphore, #tpu.memory_space<semaphore_mem>>) src(%arg13 : memref<8x1024xf32, #tpu.memory_space<vmem>>) dst(%dma_wait3A_52 : memref<8x1024xf32, #tpu.memory_space<hbm>>)
    return
  }
}

</mosaic_0001>

<sc_bundles>
// kernel: kernel.3.cloned.1.call-start
scs
__scs_entry_jumppad:
0x0: {  	(pc) =	sbr.rel $0x88, $3  }
0x1: {  	(tag) =	ssettag $0x0;
	lr =	simm.s32 $0x1  }
0x2: {  	[smem:$0x3F9E] =	sst lr;
	_ =	strace $0xD0000000  }
0x3: {  	_ = 	snop  }
0x4: {  	_ = 	snop  }
0x5: {  	_ = 	snop  }
0x6: {  	_ = 	snop  }
0x7: {  	_ = 	snop  }
__scs_overlays_trampoline_lowered:
0x8: {  	[smem:$0x3FAD] =	sst s0  }
0x9: {  	[smem:$0x3FAE] =	sst s1  }
0xa: {  	[smem:$0x3FAF] =	sst s2  }
0xb: {  	[smem:$0x3FB0] =	sst s3  }
0xc: {  	[smem:$0x3FB1] =	sst s4  }
0xd: {  	[smem:$0x3FB2] =	sst s5  }
0xe: {  	[smem:$0x3FB3] =	sst s6  }
0xf: {  	[smem:$0x3FB4] =	sst s7  }
0x10: {  	[smem:$0x3FB5] =	sst s8  }
0x11: {  	[smem:$0x3FB6] =	sst s9;
	s0 =	simm.s32 @!p0 $0x0  }
0x12: {  	s1 =	sld [smem:$0x3F9C];
	s0 =	simm.s32 @p0 $0x1  }
0x13: {  	[smem:$0x3FB7] =	sst s0;
	s0 =	simm.s32 @!p1 $0x0  }
0x14: {  	s2 =	sld [smem:$0x3F9B];
	s0 =	simm.s32 @p1 $0x1  }
0x15: {  	[smem:$0x3FB8] =	sst s0;
	s0 =	simm.s32 @!p2 $0x0  }
0x16: {  	s3 =	sld [smem:$0x3FDB];
	s0 =	simm.s32 @p2 $0x1  }
0x17: {  	s4 =	simm.s32 $0x1BF5;
	[smem:$0x3FBA] =	sst s0  }
0x18: {  	s0 =	sld [smem:$0x3F9D];
	_ =	swait.ge [sflag:s4], $0x0  }
0x19: {  	s7 =	sld [smem:$0x3F9E]  }
0x1a: {  	s8 =	sadd.s32 $0xFFFFE003, lr  }
0x1b: {  	s9 =	sadd.s32 $0xFFFFFEF7, lr;
	s5 =	simm.s32 $0xFFFFFFFF;
	p2 =	slt.u32 s8, $0xFFFFF086  }
0x1c: {  	p1 =	slt.u32 s9, $0xF7A;
	s5 =	simm.s32 @!p2 $0x0  }
0x1d: {  	s5 =	simm.s32 @p1 $0x1;
	p0 =	seq.s32 s7, s2  }
0x1e: {  	s7 =	smul.u32 @!p0 $0xF7A, s2;
	p2 =	seq.s32 @!p0 s5, $0x0  }
0x1f: {  	s9 =	smul.u32 $0xF7A, s1;
	s8 =	simm.s32 @!p0 $0x1BF5;
	p2 =	por !p2, p0  }
0x20: {  	[sflag:s8] =	ssyncset.s32 @!p0 $0xFFFFF086;
	s6 =	sadd.s32 @!p0 s3, s7;
	s7 =	simm.s32 @!p0 $0x108  }
0x21: {  	s3 =	sadd.s32 s3, s9;
	s6 =	sadd.s32 @!p0 $0x88, s6;
	s7 =	simm.s32 @p2 $0x1082  }
0x22: {  	[simem:s7], [sflag:s8] =	dma.local @!p0 [hbm:s6], $0xF7A  }
0x23: {  	s9 =	sor.u32 $0xD0000000, s2;
	s6 =	simm.s32 $0x108;
	_ =	swait.ge @!p0 [sflag:s8], $0x0  }
0x24: {  	s3 =	sadd.s32 $0x88, s3;
	s6 =	simm.s32 @!p1 $0x1082;
	[sflag:s4] =	ssyncset.s32 $0xFFFFF086  }
0x25: {  	[simem:s6], [sflag:s4] =	dma.local [hbm:s3], $0xF7A  }
0x26: {  	[smem:$0x3F9E] =	sst s1;
	(tag) =	ssettag s2;
	_ =	strace s9  }
0x27: {  	s1 =	sld [smem:$0x3FAE]  }
0x28: {  	s2 =	sld [smem:$0x3FAF]  }
0x29: {  	s4 =	sld [smem:$0x3FB1]  }
0x2a: {  	p0 =	seq.s32 s5, $0x0;
	s5 =	sld [smem:$0x3FB2]  }
0x2b: {  	s6 =	sld [smem:$0x3FB3]  }
0x2c: {  	s7 =	sld [smem:$0x3FB4]  }
0x2d: {  	s3 =	simm.s32 $0x108;
	s8 =	sld [smem:$0x3FB5]  }
0x2e: {  	s3 =	simm.s32 @!p0 $0x1082;
	s9 =	sld [smem:$0x3FB6]  }
0x2f: {  	lr =	sadd.s32 s0, s3;
	s0 =	sld [smem:$0x3FAD]  }
0x30: {  	s3 =	sld [smem:$0x3FB0]  }
0x31: {  	[smem:$0x3FB9] =	sst s10  }
0x32: {  	s10 =	sld [smem:$0x3FB7];
	_ =	sdelay $0x3  }
0x33: {  	p0 =	seq.s32 s10, $0x1;
	s10 =	sld [smem:$0x3FB9];
	_ =	sdelay $0x3  }
0x34: {  	[smem:$0x3FB9] =	sst s10  }
0x35: {  	s10 =	sld [smem:$0x3FB8];
	_ =	sdelay $0x3  }
0x36: {  	p1 =	seq.s32 s10, $0x1;
	s10 =	sld [smem:$0x3FB9];
	_ =	sdelay $0x3  }
0x37: {  	[smem:$0x3FB9] =	sst s10  }
0x38: {  	s10 =	sld [smem:$0x3FBA]  }
0x39: {  	_ = 	snop;
	(pc) =	sbr.ind lr, $3  }
0x3a: {  	_ = 	snop  }
0x3b: {  	_ = 	snop  }
0x3c: {  	p2 =	seq.s32 s10, $0x1;
	s10 =	sld [smem:$0x3FB9]  }
0x3d: {  	_ =	shalt  }
0x3e: {  	_ =	shalt  }
0x3f: {  	_ =	shalt  }
0x40: {  	_ =	shalt  }
0x41: {  	_ =	shalt  }
0x42: {  	_ =	shalt  }
0x43: {  	_ =	shalt  }
0x44: {  	_ =	shalt  }
0x45: {  	_ =	shalt  }
0x46: {  	_ =	shalt  }
0x47: {  	_ =	shalt  }
0x48: {  	_ =	shalt  }
0x49: {  	_ =	shalt  }
0x4a: {  	_ =	shalt  }
0x4b: {  	_ =	shalt  }
0x4c: {  	_ =	shalt  }
0x4d: {  	_ =	shalt  }
0x4e: {  	_ =	shalt  }
0x4f: {  	_ =	shalt  }
0x50: {  	_ =	shalt  }
0x51: {  	_ =	shalt  }
0x52: {  	_ =	shalt  }
0x53: {  	_ =	shalt  }
0x54: {  	_ =	shalt  }
0x55: {  	_ =	shalt  }
0x56: {  	_ =	shalt  }
0x57: {  	_ =	shalt  }
0x58: {  	_ =	shalt  }
0x59: {  	_ =	shalt  }
0x5a: {  	_ =	shalt  }
0x5b: {  	_ =	shalt  }
0x5c: {  	_ =	shalt  }
0x5d: {  	_ =	shalt  }
0x5e: {  	_ =	shalt  }
0x5f: {  	_ =	shalt  }
0x60: {  	_ =	shalt  }
0x61: {  	_ =	shalt  }
0x62: {  	_ =	shalt  }
0x63: {  	_ =	shalt  }
0x64: {  	_ =	shalt  }
0x65: {  	_ =	shalt  }
0x66: {  	_ =	shalt  }
0x67: {  	_ =	shalt  }
0x68: {  	_ =	shalt  }
0x69: {  	_ =	shalt  }
0x6a: {  	_ =	shalt  }
0x6b: {  	_ =	shalt  }
0x6c: {  	_ =	shalt  }
0x6d: {  	_ =	shalt  }
0x6e: {  	_ =	shalt  }
0x6f: {  	_ =	shalt  }
0x70: {  	_ =	shalt  }
0x71: {  	_ =	shalt  }
0x72: {  	_ =	shalt  }
0x73: {  	_ =	shalt  }
0x74: {  	_ =	shalt  }
0x75: {  	_ =	shalt  }
0x76: {  	_ =	shalt  }
0x77: {  	_ =	shalt  }
0x78: {  	_ =	shalt  }
0x79: {  	_ =	shalt  }
0x7a: {  	_ =	shalt  }
0x7b: {  	_ =	shalt  }
0x7c: {  	_ =	shalt  }
0x7d: {  	_ =	shalt  }
0x7e: {  	_ =	shalt  }
0x7f: {  	_ =	shalt  }
0x80: {  	_ =	shalt  }
0x81: {  	_ =	shalt  }
0x82: {  	_ =	shalt  }
0x83: {  	_ =	shalt  }
0x84: {  	_ =	shalt  }
0x85: {  	_ =	shalt  }
0x86: {  	_ =	shalt  }
0x87: {  	_ =	shalt  }
.Lfunc_end0:
.L_simem_size_0:
called_computation_lowered:
.L_overlay_start_0:
0x88: {  	s2 =	sld [smem:$0x3FD9]  }
0x89: {  	s3 =	sld [smem:$0x3FFE];
	_ =	sdelay $0x1  }
0x8a: {  	s1 =	srdreg.scid  }
0x8b: {  	s0 =	sand.u32 $0x1, s1  }
0x8c: {  	s17 =	sshll.u32 s0, $0xA;
	s2 =	sadd.s32 s3, s2  }
0x8d: {  	s2 =	sadd.s32 s2, s17  }
0x8e: {  	[smem:$0x3FC5] =	sst s2  }
0x8f: {  	_ = 	snop  }
0x90: {  	s2 =	sld [smem:$0x3FC9]  }
0x91: {  	s18 =	sld [smem:$0x3FD0];
	(tm) =	ssettm $0x1  }
0x92: {  	s4 =	sld [smem:$0x3FFB];
	_ =	sdelay $0x3  }
0x93: {  	_ =	strace s4  }
0x94: {  	s4 =	sld [smem:$0x3FFC];
	_ =	sdelay $0x3  }
0x95: {  	_ =	strace s4  }
0x96: {  	s4 =	sld [smem:$0x3FFD];
	_ =	sdelay $0x3  }
0x97: {  	_ =	strace s4  }
0x98: {  	_ =	strace $0x8FFFFFFF  }
0x99: {  	s19 =	sld [smem:$0x3FDB];
	_ =	sdelay $0x1  }
0x9a: {  	s5 =	simm.s32 $_scs_section_size  }
0x9b: {  	s6 =	simm.s32 $_size__tile_overlayer_lowered;
	s7 =	simm.s32 $_tile_overlayer_lowered  }
0x9c: {  	s22 =	simm.s32 $0x1BFF;
	s21 =	sshll.u32 s7, $0x1;
	s4 =	sadd.s32 s5, s19  }
0x9d: {  	s8 =	simm.s32 $0x0;
	s20 =	sshll.u32 s6, $0x1;
	s6 =	sadd.s32 s21, s4  }
0x9e: {  	[timem:s8], [sflag:s22] =	dma.local [hbm:s6], s20  }
0x9f: {  	_ =	swait.ge [sflag:s22], s20  }
0xa0: {  	s5 =	ssub.s32 $0x0, s20;
	[sflag:s22] =	ssyncset.done $0x0  }
0xa1: {  	[sflag:s22] =	ssyncadd.s32 s5;
	_ =	sdelay $0x1  }
0xa2: {  	s23 =	simm.s32 $0x1B8B  }
0xa3: {  	_ =	swait.ge [sflag:s23], $0x1  }
0xa4: {  	[sflag:s23] =	ssyncset.done $0x0  }
0xa5: {  	s25 =	simm.s32 $0x1B8E;
	s24 =	sld [smem:$0x3FFE];
	[sflag:s23] =	ssyncadd.s32 $0xFFFFFFFF  }
0xa6: {  	s26 =	simm.s32 $execute0_lowered;
	[smem:$0x3FD2] =	sst s25  }
0xa7: {  	s6 =	sshll.u32 s26, $0x1;
	_ =	strace $0x80000046;
	[dreg:$0x1] =	wrdreg $0xFFFFFFFF  }
0xa8: {  	s28 =	simm.s32 $_size_execute0_lowered;
	s4 =	sadd.s32 s4, s6;
	[dreg:$0x0] =	wrdreg $0x0  }
0xa9: {  	s6 =	sshll.u32 s28, $0x1;
	[dreg:$0x2] =	wrdreg s4  }
0xaa: {  	[dreg:$0x3] =	wrdreg s6  }
0xab: {  	[dreg:$0x4] =	wrdreg $0xC0  }
0xac: {  	_ =	task [dreg:s8], $0x5FFFF  }
0xad: {  	[dreg:$0x1] =	wrdreg $0xFFFFFFFF  }
0xae: {  	[dreg:$0x0] =	wrdreg $0x60  }
0xaf: {  	[dreg:$0x2] =	wrdreg s2  }
0xb0: {  	[dreg:$0x3] =	wrdreg s24  }
0xb1: {  	[dreg:$0x4] =	wrdreg s18  }
0xb2: {  	[dreg:$0x5] =	wrdreg $0x9  }
0xb3: {  	_ =	task.clear_ibuf [dreg:s8], $0x6FFFF;
	_ =	strace $0x90000046  }
0xb4: {  	s29 =	simm.s32 $0x9;
	_ =	strace $0x80000048  }
0xb5: {  	_ =	swait.ge [sflag:s29], $0x1  }
0xb6: {  	[sflag:s29] =	ssyncadd.s32 $0xFFFFFFFF  }
0xb7: {  	_ =	strace $0x90000048  }
0xb8: {  	_ =	sfence  }
0xb9: {  	s30 =	sld [smem:$0x0];
	_ =	sdelay $0x2  }
0xba: {  	s31 =	sshll.u32 s1, $0xD;
	s1 =	sshrl.u32 s1, $0x2  }
0xbb: {  	s3 =	sand.u32 $0x4000, s31;
	s1 =	sadd.s32 s1, s30  }
0xbc: {  	s0 =	sor.u32 s3, s0;
	s1 =	sshll.u32 s1, $0x11  }
0xbd: {  	s0 =	sor.u32 s1, s0  }
0xbe: {  	s0 =	sadd.s32 $0x8F2B, s0  }
0xbf: {  	[sflag:s0] =	ssyncadd.remote.s32 $0x1  }
0xc0: {  	_ =	sfence.sel $0xFFFF  }
0xc1: {  	[dreg:$0x0] =	wrdreg $0xFFFFFFFF;
	(pc) =	sbr.abs _section_cstart, $3  }
0xc2: {  	[dreg:$0x1] =	wrdreg $0xFFFFFFFF  }
0xc3: {  	_ =	task.clear_ibuf [dreg:s8], $0x2FFFF;
	_ =	strace $0x9FFFFFFF  }
0xc4: {  	(tm) =	ssettm $0x7FFFFFFF  }
0xc5: {  	_ =	shalt  }
tec
execute0_lowered:
.L_overlay_start_1:
0x0: {  	(tag) =	ssettag $0x1  }
0x1: {  	s0 =	rddreg [dreg:$0x0]  }
0x2: {  	s1 =	rddreg [dreg:$0x1]  }
0x3: {  	s2 =	rddreg [dreg:$0x2]  }
0x4: {  	s4 =	srdreg.scid;
	s3 =	simm.s32 $0x0;
	s5 =	stileid.u32  }
0x5: {  	s12 =	simm.s32 $0x100;
	s13 =	simm.s32 $0x2100;
	s14 =	simm.s32 $0x4100  }
0x6: {  	s15 =	simm.s32 $0x6100;
	s17 =	simm.s32 $0x1;
	s18 =	simm.s32 $0x8100  }
0x7: {  	s19 =	simm.s32 $0x2;
	s20 =	simm.s32 $0x6;
	s21 =	simm.s32 $0xA100  }
0x8: {  	s22 =	simm.s32 $0x3;
	s23 =	simm.s32 $0x7;
	s24 =	simm.s32 $0xC100  }
0x9: {  	s28 =	simm.s32 $0xE100;
	s30 =	simm.s32 $0x0;
	s4 =	sand.u32 $0x1, s4  }
0xa: {  	[smem:$0x7FF] =	sst s3;
	s5 =	sshll.u32 s5, $0x11;
	s6 =	sshll.u32 s4, $0x10  }
0xb: {  	s1 =	sadd.s32 $0x400, s1;
	s7 =	ssub.s32 $0x2, s4;
	s4 =	sor.u32 s6, s5  }
0xc: {  	_ =	strace $0x80000047;
	[dreg:$0x4] =	wrdreg s1;
	s5 =	sadd.s32 s0, s4  }
.Ltmp0:
0xd: {  	s26 =	sadd.s32 $0x400, s5;
	[dreg:$0x5] =	wrdreg s5;
	(pc) =	sbr.rel .LBB2_1-.Ltmp0, $4  }
0xe: {  	s25 =	sshrl.u32 s7, $0x1;
	s29 =	sadd.s32 $0x800, s5;
	[dreg:$0x6] =	wrdreg s26  }
0xf: {  	s1 =	ssub.s32 s7, s25;
	s5 =	sadd.s32 $0xC00, s5;
	[dreg:$0x7] =	wrdreg s29  }
0x10: {  	s10 =	sadd.s32 $0x1000, s0;
	s31 =	smax.u32 s1, $0x1;
	[dreg:$0x8] =	wrdreg s5  }
0x11: {  	s25 =	simm.s32 $0x4;
	[dreg:$0x9] =	wrdreg s31;
	s26 =	simm.s32 $0x8  }
.LBB2_24:
0x12: {  	s0 =	simm.s32 $0x5  }
0x13: {  	_ =	swait.ge [sflag:s0], $0x2000  }
0x14: {  	[sflag:s0] =	ssyncset.done $0x0  }
0x15: {  	[sflag:s0] =	ssyncadd.s32 $0xFFFFE000  }
0x16: {  	_ =	swait.ge [sflag:s20], $0x2000  }
0x17: {  	[sflag:s20] =	ssyncset.done $0x0  }
0x18: {  	[sflag:s20] =	ssyncadd.s32 $0xFFFFE000  }
0x19: {  	_ =	swait.ge [sflag:s23], $0x2000  }
0x1a: {  	[sflag:s23] =	ssyncset.done $0x0  }
0x1b: {  	[sflag:s23] =	ssyncadd.s32 $0xFFFFE000  }
0x1c: {  	_ =	swait.ge [sflag:s26], $0x2000  }
0x1d: {  	s30 =	sadd.s32 $0x1, s30;
	s31 =	rddreg [dreg:$0x9]  }
0x1e: {  	p0 =	sne.s32 s30, s31  }
.Ltmp1:
0x1f: {  	_ = 	snop;
	(pc) =	sbr.rel @!p0 .LBB2_25-.Ltmp1, $3  }
0x20: {  	_ =	sdelay $0x1  }
0x21: {  	[sflag:s26] =	ssyncset.done $0x0  }
0x22: {  	[sflag:s26] =	ssyncadd.s32 $0xFFFFE000  }
.LBB2_1:
0x23: {  	s0 =	rddreg [dreg:$0x5]  }
0x24: {  	[tilespmem:s12], [sflag:$0x1] =	stream.linear.gather [hbm4b:s0+s3], $0x2000, $0x38;
	[tilespmem:$0x10100] =	vst v63  }
0x25: {  	s8 =	rddreg [dreg:$0x6]  }
0x26: {  	[tilespmem:s13], [sflag:$0x2] =	stream.linear.gather [hbm4b:s8+s3], $0x2000, $0x38;
	[tilespmem:$0x10100] =	vst v63  }
0x27: {  	s9 =	rddreg [dreg:$0x7]  }
0x28: {  	[tilespmem:s14], [sflag:$0x3] =	stream.linear.gather [hbm4b:s9+s3], $0x2000, $0x38;
	[tilespmem:$0x10100] =	vst v63  }
0x29: {  	s11 =	rddreg [dreg:$0x8]  }
0x2a: {  	[tilespmem:s15], [sflag:$0x4] =	stream.linear.gather [hbm4b:s11+s3], $0x2000, $0x38;
	[tilespmem:$0x10100] =	vst v63  }
0x2b: {  	s16 =	rddreg [dreg:$0x4];
	s29 =	simm.s32 $0x9  }
0x2c: {  	[tilespmem:s3], [sflag:$0x9] =	stream.linear.gather [hbm4b:s16+s3], $0x100, $0x38;
	[tilespmem:$0x10100] =	vst v63  }
0x2d: {  	_ =	swait.ge [sflag:s29], $0x100  }
0x2e: {  	[sflag:s29] =	ssyncset.done $0x0  }
0x2f: {  	s31 =	simm.s32 $0x0;
	[sflag:s29] =	ssyncadd.s32 $0xFFFFFF00  }
.LBB2_2:
0x30: {  	_ =	swait.ge [sflag:s17], $0x2000  }
0x31: {  	p0 =	seq.s32 s31, $0x0;
	[sflag:s17] =	ssyncset.done $0x0  }
0x32: {  	s1 =	simm.s32 $0x0;
	s0 =	simm.s32 @!p0 $0x5;
	[sflag:s17] =	ssyncadd.s32 $0xFFFFE000  }
0x33: {  	s5 =	sand.u32 $0x1C00, s1;
	_ =	swait.ge @!p0 [sflag:s0], $0x2000  }
0x34: {  	s7 =	sor.u32 s5, s1;
	[sflag:s0] =	ssyncset.done @!p0 $0x0  }
0x35: {  	s11 =	sand.u32 $0x380, s1;
	s8 =	sor.u32 $0x70, s7;
	[sflag:s0] =	ssyncadd.s32 @!p0 $0xFFFFE000  }
0x36: {  	s0 =	sor.u32 s11, s5;
	v0 =	vld [tilespmem:s8+$0x100]  }
0x37: {  	v1 =	vld [tilespmem:s0+$0x100]  }
0x38: {  	v2 =	vld [tilespmem:s0+$0x110]  }
0x39: {  	v4 =	vld [tilespmem:s0+$0x130]  }
0x3a: {  	v5 =	vld [tilespmem:s0+$0x140]  }
0x3b: {  	s16 =	simm.s32 $0x400;
	s7 =	simm.s32 $0x10;
	v3 =	vld [tilespmem:s0+$0x120]  }
0x3c: {  	s1 =	sand.u32 $0x1C00, s16;
	s9 =	sand.u32 $0x380, s7;
	v6 =	vld [tilespmem:s0+$0x150]  }
0x3d: {  	s29 =	sor.u32 s1, s7;
	s1 =	sor.u32 s9, s1;
	v7 =	vld [tilespmem:s0+$0x160];
	v0 =	vadd.s32 $0x80, v0  }
0x3e: {  	v9 =	vld [tilespmem:s1+$0x110];
	v4 =	vadd.s32 $0x80, v4  }
0x3f: {  	v11 =	vld [tilespmem:s1+$0x120];
	v5 =	vadd.s32 $0x80, v5  }
0x40: {  	v12 =	vld [tilespmem:s1+$0x130]  }
0x41: {  	v13 =	vld [tilespmem:s1+$0x140]  }
0x42: {  	v1 =	vadd.s32 $0x80, v1;
	v0 =	vld.idx.msk [tilespmem:v0+s3+$0x0], $0xffff  }
0x43: {  	v2 =	vadd.s32 $0x80, v2;
	v8 =	vld.idx.msk [tilespmem:v4+s3+$0x0], $0xffff  }
0x44: {  	s5 =	sor.u32 $0x70, s29;
	v10 =	vld.idx.msk [tilespmem:v5+s3+$0x0], $0xffff  }
0x45: {  	v3 =	vadd.s32 $0x80, v3;
	v4 =	vld [tilespmem:s5+$0x100]  }
0x46: {  	v5 =	vld [tilespmem:s1+$0x100]  }
0x47: {  	v6 =	vadd.s32 $0x80, v6;
	v1 =	vld.idx.msk [tilespmem:v1+s3+$0x0], $0xffff  }
0x48: {  	v7 =	vadd.s32 $0x80, v7;
	v2 =	vld.idx.msk [tilespmem:v2+s3+$0x0], $0xffff  }
0x49: {  	v16 =	vld [tilespmem:s1+$0x150];
	v17 =	vadd.s32 $0x80, v9  }
0x4a: {  	v3 =	vld.idx.msk [tilespmem:v3+s3+$0x0], $0xffff;
	v14 =	vadd.s32 $0x80, v4  }
0x4b: {  	v18 =	vld [tilespmem:s1+$0x160];
	v15 =	vadd.s32 $0x80, v5;
	[tilespmem:s8+$0x8100] =	vst v0  }
0x4c: {  	v9 =	vadd.s32 $0x80, v11;
	[tilespmem:s0+$0x8100] =	vst v1;
	v5 =	vld.idx.msk [tilespmem:v6+s3+$0x0], $0xffff  }
0x4d: {  	[tilespmem:s0+$0x8110] =	vst v2;
	v4 =	vld.idx.msk [tilespmem:v7+s3+$0x0], $0xffff;
	v7 =	vadd.s32 $0x80, v12  }
0x4e: {  	[tilespmem:s0+$0x8130] =	vst v8;
	v8 =	vadd.s32 $0x80, v13;
	v6 =	vld.idx.msk [tilespmem:v17+s3+$0x0], $0xffff  }
0x4f: {  	[tilespmem:s0+$0x8120] =	vst v3;
	v2 =	vld.idx.msk [tilespmem:v14+s3+$0x0], $0xffff  }
0x50: {  	s9 =	simm.s32 $0x800;
	[tilespmem:s0+$0x8140] =	vst v10;
	s8 =	simm.s32 $0x8;
	v0 =	vadd.s32 $0x80, v16;
	v1 =	vadd.s32 $0x80, v18;
	v3 =	vld.idx.msk [tilespmem:v15+s3+$0x0], $0xffff  }
.LBB2_3:
0x51: {  	s11 =	sand.u32 $0x1C00, s9;
	s8 =	sadd.s32 $0x8, s8;
	v9 =	vld.idx.msk [tilespmem:v9+s3+$0x0], $0xffff;
	s7 =	sadd.s32 $0x10, s7  }
0x52: {  	s6 =	sand.u32 $0x380, s7;
	s16 =	sor.u32 s11, s7;
	p1 =	slt.u32 s8, $0x1F8;
	v7 =	vld.idx.msk [tilespmem:v7+s3+$0x0], $0xffff;
	[tilespmem:s0+$0x8150] =	vst v5  }
0x53: {  	s16 =	sor.u32 $0x70, s16;
	v5 =	vld.idx.msk [tilespmem:v8+s3+$0x0], $0xffff;
	[tilespmem:s0+$0x8160] =	vst v4;
	s0 =	smov.u32 s1;
	s1 =	sor.u32 s6, s11  }
0x54: {  	v4 =	vld [tilespmem:s16+$0x100];
	[tilespmem:s5+$0x8100] =	vst v2;
	s5 =	smov.u32 s16  }
0x55: {  	v2 =	vld [tilespmem:s1+$0x100];
	[tilespmem:s0+$0x8100] =	vst v3  }
0x56: {  	v3 =	vld [tilespmem:s1+$0x110];
	[tilespmem:s0+$0x8110] =	vst v6  }
0x57: {  	v6 =	vld [tilespmem:s1+$0x120];
	[tilespmem:s0+$0x8120] =	vst v9  }
0x58: {  	v8 =	vld [tilespmem:s1+$0x130];
	[tilespmem:s0+$0x8130] =	vst v7  }
0x59: {  	v10 =	vld [tilespmem:s1+$0x140];
	v11 =	vadd.s32 $0x80, v4;
	[tilespmem:s0+$0x8140] =	vst v5  }
0x5a: {  	v12 =	vadd.s32 $0x80, v2;
	v13 =	vld [tilespmem:s1+$0x150]  }
0x5b: {  	v14 =	vadd.s32 $0x80, v3;
	v15 =	vld [tilespmem:s1+$0x160]  }
.Ltmp2:
0x5c: {  	v9 =	vadd.s32 $0x80, v6;
	v5 =	vld.idx.msk [tilespmem:v0+s3+$0x0], $0xffff;
	(pc) =	sbr.rel @p1 .LBB2_3-.Ltmp2, $4  }
0x5d: {  	v7 =	vadd.s32 $0x80, v8;
	v4 =	vld.idx.msk [tilespmem:v1+s3+$0x0], $0xffff  }
0x5e: {  	v8 =	vadd.s32 $0x80, v10;
	v2 =	vld.idx.msk [tilespmem:v11+s3+$0x0], $0xffff  }
0x5f: {  	v3 =	vld.idx.msk [tilespmem:v12+s3+$0x0], $0xffff;
	v0 =	vadd.s32 $0x80, v13  }
0x60: {  	s9 =	sadd.s32 $0x400, s9;
	v6 =	vld.idx.msk [tilespmem:v14+s3+$0x0], $0xffff;
	v1 =	vadd.s32 $0x80, v15  }
0x61: {  	_ =	sdelay $0x3  }
0x62: {  	v9 =	vld.idx.msk [tilespmem:v9+s3+$0x0], $0xffff;
	[tilespmem:s0+$0x8150] =	vst v5  }
0x63: {  	v62 =	vld.idx.msk [tilespmem:v7+s3+$0x0], $0xffff;
	[tilespmem:s0+$0x8160] =	vst v4  }
0x64: {  	v63 =	vld.idx.msk [tilespmem:v8+s3+$0x0], $0xffff;
	[tilespmem:s5+$0x8100] =	vst v2  }
0x65: {  	v0 =	vld.idx.msk [tilespmem:v0+s3+$0x0], $0xffff;
	[tilespmem:s1+$0x8100] =	vst v3  }
0x66: {  	v1 =	vld.idx.msk [tilespmem:v1+s3+$0x0], $0xffff;
	[tilespmem:s1+$0x8110] =	vst v6  }
0x67: {  	p1 =	sne.s32 s31, $0xF;
	[tilespmem:s1+$0x8120] =	vst v9  }
.Ltmp3:
0x68: {  	[tilespmem:s1+$0x8130] =	vst v62;
	(pc) =	sbr.rel @p1 .LBB2_6-.Ltmp3, $4  }
0x69: {  	s16 =	sshll.u32 s31, $0xC;
	[tilespmem:s1+$0x8140] =	vst v63  }
0x6a: {  	s0 =	sor.u32 s4, s16;
	[tilespmem:s1+$0x8150] =	vst v0  }
0x6b: {  	s29 =	sadd.s32 s2, s0;
	[tilespmem:s1+$0x8160] =	vst v1  }
0x6c: {  	[hbm4b:s29+s3] =	stream.linear.scatter [tilespmem:s18], [sflag:$0x5], $0x2000, $0x38;
	[tilespmem:$0x10100] =	vst v63  }
.Ltmp4:
0x6d: {  	(pc) =	sbr.rel .LBB2_7-.Ltmp4, $4  }
0x6e: {  	_ = 	snop  }
0x6f: {  	_ =	swait.ge [sflag:s19], $0x2000  }
0x70: {  	[sflag:s19] =	ssyncset.done $0x0  }
0x71: {  	[sflag:s19] =	ssyncadd.s32 $0xFFFFE000  }
.LBB2_6:
.Ltmp5:
0x72: {  	s1 =	sadd.s32 s0, s10;
	(pc) =	sbr.rel @p0 .LBB2_8-.Ltmp5, $4  }
0x73: {  	[tilespmem:s12], [sflag:$0x1] =	stream.linear.gather [hbm4b:s1+s3], $0x2000, $0x38;
	[tilespmem:$0x10100] =	vst v63  }
0x74: {  	_ =	swait.ge [sflag:s19], $0x2000  }
0x75: {  	[sflag:s19] =	ssyncset.done $0x0  }
0x76: {  	[sflag:s19] =	ssyncadd.s32 $0xFFFFE000  }
.LBB2_7:
0x77: {  	_ =	swait.ge [sflag:s20], $0x2000  }
0x78: {  	[sflag:s20] =	ssyncset.done $0x0  }
0x79: {  	[sflag:s20] =	ssyncadd.s32 $0xFFFFE000  }
.LBB2_8:
0x7a: {  	s1 =	simm.s32 $0x0  }
0x7b: {  	s5 =	sand.u32 $0x1C00, s1  }
0x7c: {  	s6 =	sor.u32 s5, s1  }
0x7d: {  	s1 =	sand.u32 $0x380, s1;
	s6 =	sor.u32 $0x70, s6  }
0x7e: {  	s1 =	sor.u32 s1, s5;
	v0 =	vld [tilespmem:s6+$0x2100]  }
0x7f: {  	v1 =	vld [tilespmem:s1+$0x2100]  }
0x80: {  	v2 =	vld [tilespmem:s1+$0x2110]  }
0x81: {  	v4 =	vld [tilespmem:s1+$0x2130]  }
0x82: {  	v5 =	vld [tilespmem:s1+$0x2140]  }
0x83: {  	s29 =	simm.s32 $0x400;
	s8 =	simm.s32 $0x10;
	v3 =	vld [tilespmem:s1+$0x2120]  }
0x84: {  	s9 =	sand.u32 $0x380, s8;
	s5 =	sand.u32 $0x1C00, s29;
	v6 =	vld [tilespmem:s1+$0x2150]  }
0x85: {  	v7 =	vld [tilespmem:s1+$0x2160];
	s7 =	sor.u32 s5, s8;
	s5 =	sor.u32 s9, s5;
	v0 =	vadd.s32 $0x80, v0  }
0x86: {  	v9 =	vld [tilespmem:s5+$0x2110];
	v4 =	vadd.s32 $0x80, v4  }
0x87: {  	v11 =	vld [tilespmem:s5+$0x2120];
	v5 =	vadd.s32 $0x80, v5  }
0x88: {  	v12 =	vld [tilespmem:s5+$0x2130]  }
0x89: {  	v13 =	vld [tilespmem:s5+$0x2140]  }
0x8a: {  	v1 =	vadd.s32 $0x80, v1;
	v0 =	vld.idx.msk [tilespmem:v0+s3+$0x0], $0xffff  }
0x8b: {  	v2 =	vadd.s32 $0x80, v2;
	v8 =	vld.idx.msk [tilespmem:v4+s3+$0x0], $0xffff  }
0x8c: {  	s7 =	sor.u32 $0x70, s7;
	v10 =	vld.idx.msk [tilespmem:v5+s3+$0x0], $0xffff  }
0x8d: {  	v3 =	vadd.s32 $0x80, v3;
	v4 =	vld [tilespmem:s7+$0x2100]  }
0x8e: {  	v5 =	vld [tilespmem:s5+$0x2100]  }
0x8f: {  	v6 =	vadd.s32 $0x80, v6;
	v1 =	vld.idx.msk [tilespmem:v1+s3+$0x0], $0xffff  }
0x90: {  	v7 =	vadd.s32 $0x80, v7;
	v2 =	vld.idx.msk [tilespmem:v2+s3+$0x0], $0xffff  }
0x91: {  	v16 =	vld [tilespmem:s5+$0x2150];
	v17 =	vadd.s32 $0x80, v9  }
0x92: {  	v3 =	vld.idx.msk [tilespmem:v3+s3+$0x0], $0xffff;
	v14 =	vadd.s32 $0x80, v4  }
0x93: {  	v18 =	vld [tilespmem:s5+$0x2160];
	v15 =	vadd.s32 $0x80, v5;
	[tilespmem:s6+$0xA100] =	vst v0  }
0x94: {  	v9 =	vadd.s32 $0x80, v11;
	[tilespmem:s1+$0xA100] =	vst v1;
	v5 =	vld.idx.msk [tilespmem:v6+s3+$0x0], $0xffff  }
0x95: {  	[tilespmem:s1+$0xA110] =	vst v2;
	v4 =	vld.idx.msk [tilespmem:v7+s3+$0x0], $0xffff;
	v7 =	vadd.s32 $0x80, v12  }
0x96: {  	[tilespmem:s1+$0xA130] =	vst v8;
	v8 =	vadd.s32 $0x80, v13;
	v6 =	vld.idx.msk [tilespmem:v17+s3+$0x0], $0xffff  }
0x97: {  	[tilespmem:s1+$0xA120] =	vst v3;
	v2 =	vld.idx.msk [tilespmem:v14+s3+$0x0], $0xffff  }
0x98: {  	s11 =	simm.s32 $0x800;
	s9 =	simm.s32 $0x8;
	[tilespmem:s1+$0xA140] =	vst v10;
	v0 =	vadd.s32 $0x80, v16;
	v1 =	vadd.s32 $0x80, v18;
	v3 =	vld.idx.msk [tilespmem:v15+s3+$0x0], $0xffff  }
.LBB2_9:
0x99: {  	s6 =	sand.u32 $0x1C00, s11;
	s9 =	sadd.s32 $0x8, s9;
	v9 =	vld.idx.msk [tilespmem:v9+s3+$0x0], $0xffff;
	s8 =	sadd.s32 $0x10, s8  }
0x9a: {  	s16 =	sand.u32 $0x380, s8;
	s29 =	sor.u32 s6, s8;
	p2 =	slt.u32 s9, $0x1F8;
	v7 =	vld.idx.msk [tilespmem:v7+s3+$0x0], $0xffff;
	[tilespmem:s1+$0xA150] =	vst v5  }
0x9b: {  	s29 =	sor.u32 $0x70, s29;
	v5 =	vld.idx.msk [tilespmem:v8+s3+$0x0], $0xffff;
	[tilespmem:s1+$0xA160] =	vst v4;
	s1 =	smov.u32 s5;
	s5 =	sor.u32 s16, s6  }
0x9c: {  	v4 =	vld [tilespmem:s29+$0x2100];
	[tilespmem:s7+$0xA100] =	vst v2;
	s7 =	smov.u32 s29  }
0x9d: {  	v2 =	vld [tilespmem:s5+$0x2100];
	[tilespmem:s1+$0xA100] =	vst v3  }
0x9e: {  	v3 =	vld [tilespmem:s5+$0x2110];
	[tilespmem:s1+$0xA110] =	vst v6  }
0x9f: {  	v6 =	vld [tilespmem:s5+$0x2120];
	[tilespmem:s1+$0xA120] =	vst v9  }
0xa0: {  	v8 =	vld [tilespmem:s5+$0x2130];
	[tilespmem:s1+$0xA130] =	vst v7  }
0xa1: {  	v10 =	vld [tilespmem:s5+$0x2140];
	v11 =	vadd.s32 $0x80, v4;
	[tilespmem:s1+$0xA140] =	vst v5  }
0xa2: {  	v12 =	vadd.s32 $0x80, v2;
	v13 =	vld [tilespmem:s5+$0x2150]  }
0xa3: {  	v14 =	vadd.s32 $0x80, v3;
	v15 =	vld [tilespmem:s5+$0x2160]  }
.Ltmp6:
0xa4: {  	v9 =	vadd.s32 $0x80, v6;
	v5 =	vld.idx.msk [tilespmem:v0+s3+$0x0], $0xffff;
	(pc) =	sbr.rel @p2 .LBB2_9-.Ltmp6, $4  }
0xa5: {  	v7 =	vadd.s32 $0x80, v8;
	v4 =	vld.idx.msk [tilespmem:v1+s3+$0x0], $0xffff  }
0xa6: {  	v8 =	vadd.s32 $0x80, v10;
	v2 =	vld.idx.msk [tilespmem:v11+s3+$0x0], $0xffff  }
0xa7: {  	v3 =	vld.idx.msk [tilespmem:v12+s3+$0x0], $0xffff;
	v0 =	vadd.s32 $0x80, v13  }
0xa8: {  	s11 =	sadd.s32 $0x400, s11;
	v6 =	vld.idx.msk [tilespmem:v14+s3+$0x0], $0xffff;
	v1 =	vadd.s32 $0x80, v15  }
0xa9: {  	_ =	sdelay $0x3  }
0xaa: {  	v9 =	vld.idx.msk [tilespmem:v9+s3+$0x0], $0xffff;
	[tilespmem:s1+$0xA150] =	vst v5  }
0xab: {  	v62 =	vld.idx.msk [tilespmem:v7+s3+$0x0], $0xffff;
	[tilespmem:s1+$0xA160] =	vst v4  }
0xac: {  	v63 =	vld.idx.msk [tilespmem:v8+s3+$0x0], $0xffff;
	[tilespmem:s7+$0xA100] =	vst v2  }
0xad: {  	v0 =	vld.idx.msk [tilespmem:v0+s3+$0x0], $0xffff;
	[tilespmem:s5+$0xA100] =	vst v3  }
0xae: {  	v1 =	vld.idx.msk [tilespmem:v1+s3+$0x0], $0xffff;
	[tilespmem:s5+$0xA110] =	vst v6  }
0xaf: {  	[tilespmem:s5+$0xA120] =	vst v9  }
.Ltmp7:
0xb0: {  	[tilespmem:s5+$0xA130] =	vst v62;
	(pc) =	sbr.rel @p1 .LBB2_12-.Ltmp7, $4  }
0xb1: {  	[tilespmem:s5+$0xA140] =	vst v63  }
0xb2: {  	s1 =	sor.u32 $0x400, s0;
	[tilespmem:s5+$0xA150] =	vst v0  }
0xb3: {  	s29 =	sadd.s32 s2, s1;
	[tilespmem:s5+$0xA160] =	vst v1  }
0xb4: {  	[hbm4b:s29+s3] =	stream.linear.scatter [tilespmem:s21], [sflag:$0x6], $0x2000, $0x38;
	[tilespmem:$0x10100] =	vst v63  }
.Ltmp8:
0xb5: {  	(pc) =	sbr.rel .LBB2_13-.Ltmp8, $4  }
0xb6: {  	_ = 	snop  }
0xb7: {  	_ =	swait.ge [sflag:s22], $0x2000  }
0xb8: {  	[sflag:s22] =	ssyncset.done $0x0  }
0xb9: {  	[sflag:s22] =	ssyncadd.s32 $0xFFFFE000  }
.LBB2_12:
.Ltmp9:
0xba: {  	s1 =	sadd.s32 s1, s10;
	(pc) =	sbr.rel @p0 .LBB2_14-.Ltmp9, $4  }
0xbb: {  	[tilespmem:s13], [sflag:$0x2] =	stream.linear.gather [hbm4b:s1+s3], $0x2000, $0x38;
	[tilespmem:$0x10100] =	vst v63  }
0xbc: {  	_ =	swait.ge [sflag:s22], $0x2000  }
0xbd: {  	[sflag:s22] =	ssyncset.done $0x0  }
0xbe: {  	[sflag:s22] =	ssyncadd.s32 $0xFFFFE000  }
.LBB2_13:
0xbf: {  	_ =	swait.ge [sflag:s23], $0x2000  }
0xc0: {  	[sflag:s23] =	ssyncset.done $0x0  }
0xc1: {  	[sflag:s23] =	ssyncadd.s32 $0xFFFFE000  }
.LBB2_14:
0xc2: {  	s1 =	simm.s32 $0x0  }
0xc3: {  	s5 =	sand.u32 $0x1C00, s1  }
0xc4: {  	s6 =	sor.u32 s5, s1  }
0xc5: {  	s1 =	sand.u32 $0x380, s1;
	s6 =	sor.u32 $0x70, s6  }
0xc6: {  	s1 =	sor.u32 s1, s5;
	v0 =	vld [tilespmem:s6+$0x4100]  }
0xc7: {  	v1 =	vld [tilespmem:s1+$0x4100]  }
0xc8: {  	v2 =	vld [tilespmem:s1+$0x4110]  }
0xc9: {  	v4 =	vld [tilespmem:s1+$0x4130]  }
0xca: {  	v5 =	vld [tilespmem:s1+$0x4140]  }
0xcb: {  	s29 =	simm.s32 $0x400;
	s8 =	simm.s32 $0x10;
	v3 =	vld [tilespmem:s1+$0x4120]  }
0xcc: {  	s9 =	sand.u32 $0x380, s8;
	s5 =	sand.u32 $0x1C00, s29;
	v6 =	vld [tilespmem:s1+$0x4150]  }
0xcd: {  	v7 =	vld [tilespmem:s1+$0x4160];
	s7 =	sor.u32 s5, s8;
	s5 =	sor.u32 s9, s5;
	v0 =	vadd.s32 $0x80, v0  }
0xce: {  	v9 =	vld [tilespmem:s5+$0x4110];
	v4 =	vadd.s32 $0x80, v4  }
0xcf: {  	v11 =	vld [tilespmem:s5+$0x4120];
	v5 =	vadd.s32 $0x80, v5  }
0xd0: {  	v12 =	vld [tilespmem:s5+$0x4130]  }
0xd1: {  	v13 =	vld [tilespmem:s5+$0x4140]  }
0xd2: {  	v1 =	vadd.s32 $0x80, v1;
	v0 =	vld.idx.msk [tilespmem:v0+s3+$0x0], $0xffff  }
0xd3: {  	v2 =	vadd.s32 $0x80, v2;
	v8 =	vld.idx.msk [tilespmem:v4+s3+$0x0], $0xffff  }
0xd4: {  	s7 =	sor.u32 $0x70, s7;
	v10 =	vld.idx.msk [tilespmem:v5+s3+$0x0], $0xffff  }
0xd5: {  	v3 =	vadd.s32 $0x80, v3;
	v4 =	vld [tilespmem:s7+$0x4100]  }
0xd6: {  	v5 =	vld [tilespmem:s5+$0x4100]  }
0xd7: {  	v6 =	vadd.s32 $0x80, v6;
	v1 =	vld.idx.msk [tilespmem:v1+s3+$0x0], $0xffff  }
0xd8: {  	v7 =	vadd.s32 $0x80, v7;
	v2 =	vld.idx.msk [tilespmem:v2+s3+$0x0], $0xffff  }
0xd9: {  	v16 =	vld [tilespmem:s5+$0x4150];
	v17 =	vadd.s32 $0x80, v9  }
0xda: {  	v3 =	vld.idx.msk [tilespmem:v3+s3+$0x0], $0xffff;
	v14 =	vadd.s32 $0x80, v4  }
0xdb: {  	v18 =	vld [tilespmem:s5+$0x4160];
	v15 =	vadd.s32 $0x80, v5;
	[tilespmem:s6+$0xC100] =	vst v0  }
0xdc: {  	v9 =	vadd.s32 $0x80, v11;
	[tilespmem:s1+$0xC100] =	vst v1;
	v5 =	vld.idx.msk [tilespmem:v6+s3+$0x0], $0xffff  }
0xdd: {  	[tilespmem:s1+$0xC110] =	vst v2;
	v4 =	vld.idx.msk [tilespmem:v7+s3+$0x0], $0xffff;
	v7 =	vadd.s32 $0x80, v12  }
0xde: {  	[tilespmem:s1+$0xC130] =	vst v8;
	v8 =	vadd.s32 $0x80, v13;
	v6 =	vld.idx.msk [tilespmem:v17+s3+$0x0], $0xffff  }
0xdf: {  	[tilespmem:s1+$0xC120] =	vst v3;
	v2 =	vld.idx.msk [tilespmem:v14+s3+$0x0], $0xffff  }
0xe0: {  	s11 =	simm.s32 $0x800;
	s9 =	simm.s32 $0x8;
	[tilespmem:s1+$0xC140] =	vst v10;
	v0 =	vadd.s32 $0x80, v16;
	v1 =	vadd.s32 $0x80, v18;
	v3 =	vld.idx.msk [tilespmem:v15+s3+$0x0], $0xffff  }
.LBB2_15:
0xe1: {  	s6 =	sand.u32 $0x1C00, s11;
	s9 =	sadd.s32 $0x8, s9;
	v9 =	vld.idx.msk [tilespmem:v9+s3+$0x0], $0xffff;
	s8 =	sadd.s32 $0x10, s8  }
0xe2: {  	s16 =	sand.u32 $0x380, s8;
	s29 =	sor.u32 s6, s8;
	p2 =	slt.u32 s9, $0x1F8;
	v7 =	vld.idx.msk [tilespmem:v7+s3+$0x0], $0xffff;
	[tilespmem:s1+$0xC150] =	vst v5  }
0xe3: {  	s29 =	sor.u32 $0x70, s29;
	v5 =	vld.idx.msk [tilespmem:v8+s3+$0x0], $0xffff;
	[tilespmem:s1+$0xC160] =	vst v4;
	s1 =	smov.u32 s5;
	s5 =	sor.u32 s16, s6  }
0xe4: {  	v4 =	vld [tilespmem:s29+$0x4100];
	[tilespmem:s7+$0xC100] =	vst v2;
	s7 =	smov.u32 s29  }
0xe5: {  	v2 =	vld [tilespmem:s5+$0x4100];
	[tilespmem:s1+$0xC100] =	vst v3  }
0xe6: {  	v3 =	vld [tilespmem:s5+$0x4110];
	[tilespmem:s1+$0xC110] =	vst v6  }
0xe7: {  	v6 =	vld [tilespmem:s5+$0x4120];
	[tilespmem:s1+$0xC120] =	vst v9  }
0xe8: {  	v8 =	vld [tilespmem:s5+$0x4130];
	[tilespmem:s1+$0xC130] =	vst v7  }
0xe9: {  	v10 =	vld [tilespmem:s5+$0x4140];
	v11 =	vadd.s32 $0x80, v4;
	[tilespmem:s1+$0xC140] =	vst v5  }
0xea: {  	v12 =	vadd.s32 $0x80, v2;
	v13 =	vld [tilespmem:s5+$0x4150]  }
0xeb: {  	v14 =	vadd.s32 $0x80, v3;
	v15 =	vld [tilespmem:s5+$0x4160]  }
.Ltmp10:
0xec: {  	v9 =	vadd.s32 $0x80, v6;
	v5 =	vld.idx.msk [tilespmem:v0+s3+$0x0], $0xffff;
	(pc) =	sbr.rel @p2 .LBB2_15-.Ltmp10, $4  }
0xed: {  	v7 =	vadd.s32 $0x80, v8;
	v4 =	vld.idx.msk [tilespmem:v1+s3+$0x0], $0xffff  }
0xee: {  	v8 =	vadd.s32 $0x80, v10;
	v2 =	vld.idx.msk [tilespmem:v11+s3+$0x0], $0xffff  }
0xef: {  	v3 =	vld.idx.msk [tilespmem:v12+s3+$0x0], $0xffff;
	v0 =	vadd.s32 $0x80, v13  }
0xf0: {  	s11 =	sadd.s32 $0x400, s11;
	v6 =	vld.idx.msk [tilespmem:v14+s3+$0x0], $0xffff;
	v1 =	vadd.s32 $0x80, v15  }
0xf1: {  	_ =	sdelay $0x3  }
0xf2: {  	v9 =	vld.idx.msk [tilespmem:v9+s3+$0x0], $0xffff;
	[tilespmem:s1+$0xC150] =	vst v5  }
0xf3: {  	v62 =	vld.idx.msk [tilespmem:v7+s3+$0x0], $0xffff;
	[tilespmem:s1+$0xC160] =	vst v4  }
0xf4: {  	v63 =	vld.idx.msk [tilespmem:v8+s3+$0x0], $0xffff;
	[tilespmem:s7+$0xC100] =	vst v2  }
0xf5: {  	v0 =	vld.idx.msk [tilespmem:v0+s3+$0x0], $0xffff;
	[tilespmem:s5+$0xC100] =	vst v3  }
0xf6: {  	v1 =	vld.idx.msk [tilespmem:v1+s3+$0x0], $0xffff;
	[tilespmem:s5+$0xC110] =	vst v6  }
0xf7: {  	[tilespmem:s5+$0xC120] =	vst v9  }
.Ltmp11:
0xf8: {  	[tilespmem:s5+$0xC130] =	vst v62;
	(pc) =	sbr.rel @p1 .LBB2_18-.Ltmp11, $4  }
0xf9: {  	[tilespmem:s5+$0xC140] =	vst v63  }
0xfa: {  	s1 =	sor.u32 $0x800, s0;
	[tilespmem:s5+$0xC150] =	vst v0  }
0xfb: {  	s29 =	sadd.s32 s2, s1;
	[tilespmem:s5+$0xC160] =	vst v1  }
0xfc: {  	[hbm4b:s29+s3] =	stream.linear.scatter [tilespmem:s24], [sflag:$0x7], $0x2000, $0x38;
	[tilespmem:$0x10100] =	vst v63  }
.Ltmp12:
0xfd: {  	(pc) =	sbr.rel .LBB2_19-.Ltmp12, $4  }
0xfe: {  	_ = 	snop  }
0xff: {  	_ =	swait.ge [sflag:s25], $0x2000  }
0x100: {  	[sflag:s25] =	ssyncset.done $0x0  }
0x101: {  	[sflag:s25] =	ssyncadd.s32 $0xFFFFE000  }
.LBB2_18:
.Ltmp13:
0x102: {  	s1 =	sadd.s32 s1, s10;
	(pc) =	sbr.rel @p0 .LBB2_20-.Ltmp13, $4  }
0x103: {  	[tilespmem:s14], [sflag:$0x3] =	stream.linear.gather [hbm4b:s1+s3], $0x2000, $0x38;
	[tilespmem:$0x10100] =	vst v63  }
0x104: {  	_ =	swait.ge [sflag:s25], $0x2000  }
0x105: {  	[sflag:s25] =	ssyncset.done $0x0  }
0x106: {  	[sflag:s25] =	ssyncadd.s32 $0xFFFFE000  }
.LBB2_19:
0x107: {  	_ =	swait.ge [sflag:s26], $0x2000  }
0x108: {  	[sflag:s26] =	ssyncset.done $0x0  }
0x109: {  	[sflag:s26] =	ssyncadd.s32 $0xFFFFE000  }
.LBB2_20:
0x10a: {  	s1 =	simm.s32 $0x0  }
0x10b: {  	s5 =	sand.u32 $0x1C00, s1  }
0x10c: {  	s6 =	sor.u32 s5, s1  }
0x10d: {  	s1 =	sand.u32 $0x380, s1;
	s6 =	sor.u32 $0x70, s6  }
0x10e: {  	s1 =	sor.u32 s1, s5;
	v0 =	vld [tilespmem:s6+$0x6100]  }
0x10f: {  	v1 =	vld [tilespmem:s1+$0x6100]  }
0x110: {  	v2 =	vld [tilespmem:s1+$0x6110]  }
0x111: {  	v4 =	vld [tilespmem:s1+$0x6130]  }
0x112: {  	v5 =	vld [tilespmem:s1+$0x6140]  }
0x113: {  	s29 =	simm.s32 $0x400;
	s8 =	simm.s32 $0x10;
	v3 =	vld [tilespmem:s1+$0x6120]  }
0x114: {  	s9 =	sand.u32 $0x380, s8;
	s5 =	sand.u32 $0x1C00, s29;
	v6 =	vld [tilespmem:s1+$0x6150]  }
0x115: {  	v7 =	vld [tilespmem:s1+$0x6160];
	s7 =	sor.u32 s5, s8;
	s5 =	sor.u32 s9, s5;
	v0 =	vadd.s32 $0x80, v0  }
0x116: {  	v9 =	vld [tilespmem:s5+$0x6110];
	v4 =	vadd.s32 $0x80, v4  }
0x117: {  	v11 =	vld [tilespmem:s5+$0x6120];
	v5 =	vadd.s32 $0x80, v5  }
0x118: {  	v12 =	vld [tilespmem:s5+$0x6130]  }
0x119: {  	v13 =	vld [tilespmem:s5+$0x6140]  }
0x11a: {  	v1 =	vadd.s32 $0x80, v1;
	v0 =	vld.idx.msk [tilespmem:v0+s3+$0x0], $0xffff  }
0x11b: {  	v2 =	vadd.s32 $0x80, v2;
	v8 =	vld.idx.msk [tilespmem:v4+s3+$0x0], $0xffff  }
0x11c: {  	s7 =	sor.u32 $0x70, s7;
	v10 =	vld.idx.msk [tilespmem:v5+s3+$0x0], $0xffff  }
0x11d: {  	v3 =	vadd.s32 $0x80, v3;
	v4 =	vld [tilespmem:s7+$0x6100]  }
0x11e: {  	v5 =	vld [tilespmem:s5+$0x6100]  }
0x11f: {  	v6 =	vadd.s32 $0x80, v6;
	v1 =	vld.idx.msk [tilespmem:v1+s3+$0x0], $0xffff  }
0x120: {  	v7 =	vadd.s32 $0x80, v7;
	v2 =	vld.idx.msk [tilespmem:v2+s3+$0x0], $0xffff  }
0x121: {  	v16 =	vld [tilespmem:s5+$0x6150];
	v17 =	vadd.s32 $0x80, v9  }
0x122: {  	v3 =	vld.idx.msk [tilespmem:v3+s3+$0x0], $0xffff;
	v14 =	vadd.s32 $0x80, v4  }
0x123: {  	v18 =	vld [tilespmem:s5+$0x6160];
	v15 =	vadd.s32 $0x80, v5;
	[tilespmem:s6+$0xE100] =	vst v0  }
0x124: {  	v9 =	vadd.s32 $0x80, v11;
	[tilespmem:s1+$0xE100] =	vst v1;
	v5 =	vld.idx.msk [tilespmem:v6+s3+$0x0], $0xffff  }
0x125: {  	[tilespmem:s1+$0xE110] =	vst v2;
	v4 =	vld.idx.msk [tilespmem:v7+s3+$0x0], $0xffff;
	v7 =	vadd.s32 $0x80, v12  }
0x126: {  	[tilespmem:s1+$0xE130] =	vst v8;
	v8 =	vadd.s32 $0x80, v13;
	v6 =	vld.idx.msk [tilespmem:v17+s3+$0x0], $0xffff  }
0x127: {  	[tilespmem:s1+$0xE120] =	vst v3;
	v2 =	vld.idx.msk [tilespmem:v14+s3+$0x0], $0xffff  }
0x128: {  	s11 =	simm.s32 $0x800;
	s9 =	simm.s32 $0x8;
	[tilespmem:s1+$0xE140] =	vst v10;
	v0 =	vadd.s32 $0x80, v16;
	v1 =	vadd.s32 $0x80, v18;
	v3 =	vld.idx.msk [tilespmem:v15+s3+$0x0], $0xffff  }
.LBB2_21:
0x129: {  	s6 =	sand.u32 $0x1C00, s11;
	s9 =	sadd.s32 $0x8, s9;
	v9 =	vld.idx.msk [tilespmem:v9+s3+$0x0], $0xffff;
	s8 =	sadd.s32 $0x10, s8  }
0x12a: {  	s16 =	sand.u32 $0x380, s8;
	s29 =	sor.u32 s6, s8;
	p0 =	slt.u32 s9, $0x1F8;
	v7 =	vld.idx.msk [tilespmem:v7+s3+$0x0], $0xffff;
	[tilespmem:s1+$0xE150] =	vst v5  }
0x12b: {  	s29 =	sor.u32 $0x70, s29;
	v5 =	vld.idx.msk [tilespmem:v8+s3+$0x0], $0xffff;
	[tilespmem:s1+$0xE160] =	vst v4;
	s1 =	smov.u32 s5;
	s5 =	sor.u32 s16, s6  }
0x12c: {  	v4 =	vld [tilespmem:s29+$0x6100];
	[tilespmem:s7+$0xE100] =	vst v2;
	s7 =	smov.u32 s29  }
0x12d: {  	v2 =	vld [tilespmem:s5+$0x6100];
	[tilespmem:s1+$0xE100] =	vst v3  }
0x12e: {  	v3 =	vld [tilespmem:s5+$0x6110];
	[tilespmem:s1+$0xE110] =	vst v6  }
0x12f: {  	v6 =	vld [tilespmem:s5+$0x6120];
	[tilespmem:s1+$0xE120] =	vst v9  }
0x130: {  	v8 =	vld [tilespmem:s5+$0x6130];
	[tilespmem:s1+$0xE130] =	vst v7  }
0x131: {  	v10 =	vld [tilespmem:s5+$0x6140];
	v11 =	vadd.s32 $0x80, v4;
	[tilespmem:s1+$0xE140] =	vst v5  }
0x132: {  	v12 =	vadd.s32 $0x80, v2;
	v13 =	vld [tilespmem:s5+$0x6150]  }
0x133: {  	v14 =	vadd.s32 $0x80, v3;
	v15 =	vld [tilespmem:s5+$0x6160]  }
.Ltmp14:
0x134: {  	v9 =	vadd.s32 $0x80, v6;
	v5 =	vld.idx.msk [tilespmem:v0+s3+$0x0], $0xffff;
	(pc) =	sbr.rel @p0 .LBB2_21-.Ltmp14, $4  }
0x135: {  	v7 =	vadd.s32 $0x80, v8;
	v4 =	vld.idx.msk [tilespmem:v1+s3+$0x0], $0xffff  }
0x136: {  	v8 =	vadd.s32 $0x80, v10;
	v2 =	vld.idx.msk [tilespmem:v11+s3+$0x0], $0xffff  }
0x137: {  	v3 =	vld.idx.msk [tilespmem:v12+s3+$0x0], $0xffff;
	v0 =	vadd.s32 $0x80, v13  }
0x138: {  	s11 =	sadd.s32 $0x400, s11;
	v6 =	vld.idx.msk [tilespmem:v14+s3+$0x0], $0xffff;
	v1 =	vadd.s32 $0x80, v15  }
0x139: {  	_ =	sdelay $0x3  }
0x13a: {  	v9 =	vld.idx.msk [tilespmem:v9+s3+$0x0], $0xffff;
	[tilespmem:s1+$0xE150] =	vst v5  }
0x13b: {  	v62 =	vld.idx.msk [tilespmem:v7+s3+$0x0], $0xffff;
	[tilespmem:s1+$0xE160] =	vst v4  }
0x13c: {  	v63 =	vld.idx.msk [tilespmem:v8+s3+$0x0], $0xffff;
	[tilespmem:s7+$0xE100] =	vst v2  }
0x13d: {  	v0 =	vld.idx.msk [tilespmem:v0+s3+$0x0], $0xffff;
	[tilespmem:s5+$0xE100] =	vst v3  }
0x13e: {  	v1 =	vld.idx.msk [tilespmem:v1+s3+$0x0], $0xffff;
	[tilespmem:s5+$0xE110] =	vst v6  }
0x13f: {  	p0 =	seq.s32 s31, $0xF;
	[tilespmem:s5+$0xE120] =	vst v9  }
.Ltmp15:
0x140: {  	[tilespmem:s5+$0xE130] =	vst v62;
	(pc) =	sbr.rel @p0 .LBB2_24-.Ltmp15, $4  }
0x141: {  	[tilespmem:s5+$0xE140] =	vst v63  }
0x142: {  	s0 =	sor.u32 $0xC00, s0;
	[tilespmem:s5+$0xE150] =	vst v0  }
0x143: {  	s29 =	sadd.s32 s2, s0;
	[tilespmem:s5+$0xE160] =	vst v1  }
0x144: {  	[hbm4b:s29+s3] =	stream.linear.scatter [tilespmem:s28], [sflag:$0x8], $0x2000, $0x38;
	[tilespmem:$0x10100] =	vst v63  }
.Ltmp16:
0x145: {  	(pc) =	sbr.rel .LBB2_2-.Ltmp16, $3  }
0x146: {  	_ =	sdelay $0x1  }
0x147: {  	s0 =	sadd.s32 s0, s10;
	s31 =	sadd.s32 $0x1, s31  }
0x148: {  	[tilespmem:s15], [sflag:$0x4] =	stream.linear.gather [hbm4b:s0+s3], $0x2000, $0x38;
	[tilespmem:$0x10100] =	vst v63  }
.LBB2_25:
0x149: {  	_ =	sfence.sel $0x180000  }
0x14a: {  	[bflag:$0x0] =	sbarrier.arrive $0xFFFF  }
0x14b: {  	_ =	strace $0x90000047  }
0x14c: {  	s0 =	stileid.u32;
	[bflag:$0x2] =	sbarrier.arrive $0xFFFF  }
0x14d: {  	p0 =	sne.s32 s0, $0x0;
	s0 =	rddreg [dreg:$0x3]  }
0x14e: {  	s0 =	sadd.s32 @!p0 $0x100000, s0  }
0x14f: {  	[sflag:s0] =	ssyncadd.tile.s32 @!p0 $0x1;
	_ =	shalt  }
.Lfunc_end2:
_tile_overlayer_lowered:
.L_overlay_start_2:
0x150: {  	(tag) =	ssettag $0x2  }
0x151: {  	s0 =	rddreg [dreg:$0x0];
	s2 =	stileid.u32  }
0x152: {  	s1 =	rddreg [dreg:$0x1];
	p0 =	sne.s32 s2, $0x0  }
0x153: {  	s3 =	rddreg [dreg:$0x2];
	[bflag:$0x3] =	sbarrier.arrive $0xFFFF;
	s2 =	simm.s32 @!p0 $0x1C09  }
0x154: {  	[timem:s3], [sflag:s2] =	dma.local @!p0 [hbm:s0], s1  }
0x155: {  	s0 =	simm.s32 @!p0 $0x9  }
0x156: {  	_ =	swait.ge @!p0 [sflag:s0], s1  }
0x157: {  	s1 =	ssub.s32 @!p0 $0x0, s1;
	[sflag:s0] =	ssyncset.done @!p0 $0x0  }
0x158: {  	[sflag:s0] =	ssyncadd.s32 @!p0 s1  }
0x159: {  	[bflag:$0x3] =	sbarrier.arrive $0xFFFF  }
0x15a: {  	_ =	shalt  }

</sc_bundles>
